<compile_context>
chip_gen: v7x
topology: tpu7x:2x2x1
jax: 0.10.2.dev20260603
libtpu: 0.0.44.dev20260713+nightly
codegen_flags: <defaults>
</compile_context>

<pallas_src>
import jax
import jax.numpy as jnp
from jax import lax
from jax.experimental import pallas as pl
from jax.experimental.pallas import tpu as pltpu
from jax.experimental.pallas import tpu_sc as plsc

E = 320000
N = 10000
D = 128
N_PAD = 10240
NS = 16
NC = 2
NW = NC * NS
EPW = E // NW
CH = 128
NCH = EPW // CH
TAIL = EPW - NCH * CH
RPT = N_PAD // NS


def _fill_buf(buf, val):
    fv = jnp.full((16,), val, jnp.float32)

    def frow_loop(r, carry):
        for k in range(D // 16):
            buf[r, pl.ds(16 * k, 16)] = fv
        return carry

    lax.fori_loop(0, CH, frow_loop, 0)


def _sum_body(edge_hbm, seg3_hbm, seg_tail_hbm, out_hbm,
              e0, e1, idx2d, itail, acc, s0, s1):
    c = lax.axis_index("c")
    s = lax.axis_index("s")
    wid = s * NC + c
    ebase = wid * EPW
    obase = c * N_PAD

    pltpu.sync_copy(seg3_hbm.at[wid], idx2d)
    _fill_buf(e0, 0.0)
    for k in range(RPT // CH):
        pltpu.sync_copy(e0, acc.at[pl.ds(s * RPT + k * CH, CH)])
    plsc.subcore_barrier()

    def ga(g, carry):
        @pl.when(g > 0)
        def _():
            pltpu.make_async_copy(e0, acc.at[idx2d.at[0]], s0).wait()

        pltpu.sync_copy(edge_hbm.at[pl.ds(ebase + 2 * g * CH, CH)], e0)
        pltpu.async_copy(e0, acc.at[idx2d.at[2 * g]], s0, add=True)

        @pl.when(g > 0)
        def _():
            pltpu.make_async_copy(e1, acc.at[idx2d.at[0]], s1).wait()

        pltpu.sync_copy(edge_hbm.at[pl.ds(ebase + (2 * g + 1) * CH, CH)], e1)
        pltpu.async_copy(e1, acc.at[idx2d.at[2 * g + 1]], s1, add=True)
        return carry

    lax.fori_loop(0, NCH // 2, ga, 0)
    pltpu.make_async_copy(e0, acc.at[idx2d.at[0]], s0).wait()
    pltpu.sync_copy(seg_tail_hbm.at[wid], itail)
    pltpu.sync_copy(edge_hbm.at[pl.ds(ebase + NCH * CH, TAIL)],
                    e0.at[pl.ds(0, TAIL)])
    pltpu.async_copy(e0.at[pl.ds(0, TAIL)], acc.at[itail], s0, add=True)
    pltpu.make_async_copy(e0.at[pl.ds(0, TAIL)], acc.at[itail], s0).wait()
    pltpu.make_async_copy(e1, acc.at[idx2d.at[0]], s1).wait()
    plsc.subcore_barrier()

    pltpu.sync_copy(acc.at[pl.ds(s * RPT, RPT)],
                    out_hbm.at[pl.ds(obase + s * RPT, RPT)])


def _segment_sum_sc(edge_graph, seg3, seg_tail):
    mesh = plsc.VectorSubcoreMesh(core_axis_name="c", subcore_axis_name="s")
    f = pl.kernel(
        _sum_body,
        out_type=jax.ShapeDtypeStruct((NC * N_PAD, D), jnp.float32),
        mesh=mesh,
        scratch_types=[
            pltpu.VMEM((CH, D), jnp.float32),
            pltpu.VMEM((CH, D), jnp.float32),
            pltpu.VMEM((NCH, CH), jnp.int32),
            pltpu.VMEM((TAIL,), jnp.int32),
            pltpu.VMEM_SHARED((N_PAD, D), jnp.float32),
            pltpu.SemaphoreType.DMA,
            pltpu.SemaphoreType.DMA,
        ],
    )
    return f(edge_graph, seg3, seg_tail)


BLK = 400


def _tc_body(sc_ref, w1t_ref, b1_ref, w2t_ref, b2_ref,
             g1_ref, bb1_ref, g2_ref, bb2_ref, out_ref):
    h = sc_ref[0] + sc_ref[1]
    mu = jnp.mean(h, axis=-1, keepdims=True)
    dh = h - mu
    var = jnp.mean(dh * dh, axis=-1, keepdims=True)
    hn = dh * lax.rsqrt(var + 1e-5) * g1_ref[...] + bb1_ref[...]
    z = jnp.dot(hn, w1t_ref[...], preferred_element_type=jnp.float32) + b1_ref[...]
    z = 0.5 * z * (1.0 + lax.erf(z * 0.7071067811865476))
    z = jnp.dot(z, w2t_ref[...], preferred_element_type=jnp.float32) + b2_ref[...]
    x = hn + z
    mu2 = jnp.mean(x, axis=-1, keepdims=True)
    dx = x - mu2
    var2 = jnp.mean(dx * dx, axis=-1, keepdims=True)
    out_ref[...] = dx * lax.rsqrt(var2 + 1e-5) * g2_ref[...] + bb2_ref[...]


def _pool_ffn_tc(sc, w1t, b1, w2t, b2, g1, bb1, g2, bb2):
    grid = (N // BLK,)
    full2d = pl.BlockSpec((D, D), lambda i: (0, 0))
    row = pl.BlockSpec((1, D), lambda i: (0, 0))
    return pl.pallas_call(
        _tc_body,
        grid=grid,
        in_specs=[
            pl.BlockSpec((NC, BLK, D), lambda i: (0, i, 0)),
            full2d, row, full2d, row, row, row, row, row,
        ],
        out_specs=pl.BlockSpec((BLK, D), lambda i: (i, 0)),
        out_shape=jax.ShapeDtypeStruct((N, D), jnp.float32),
    )(sc, w1t, b1, w2t, b2, g1, bb1, g2, bb2)


def kernel(edge_graph, edge_index, graph_index, W1, b1, W2, b2,
           ln1_g, ln1_b, ln2_g, ln2_b):
    seg = edge_index[1]
    seg2 = seg.reshape(NW, EPW)
    seg3 = seg2[:, :NCH * CH].reshape(NW, NCH, CH)
    seg_tail = seg2[:, NCH * CH:]
    out = _segment_sum_sc(edge_graph, seg3, seg_tail).reshape(NC, N_PAD, D)
    return _pool_ffn_tc(
        out, W1.T, b1.reshape(1, D), W2.T, b2.reshape(1, D),
        ln1_g.reshape(1, D), ln1_b.reshape(1, D),
        ln2_g.reshape(1, D), ln2_b.reshape(1, D))

# --- scband reference (transcript-rebuilt; emitter-appended) ---
"""Pipeline reference for scband-edge-graph-pool-22737556865355 (READ-ONLY COPY).

The authoritative reference and input builder live on the scoring server;
editing this copy changes nothing except your own understanding.
"""

import jax, jax.numpy as jnp
import numpy as np

E = 320000
N = 10000
D = 128

def layer_norm(x, g, b, eps=1e-5):
    mu = jnp.mean(x, axis=-1, keepdims=True)
    var = jnp.mean((x - mu) ** 2, axis=-1, keepdims=True)
    return (x - mu) / jnp.sqrt(var + eps) * g + b

def setup_inputs(seed: int = 0) -> dict:
    key = jax.random.key(seed)
    ks = jax.random.split(key, 8)
    edge_graph = jax.random.normal(ks[0], (E, D), dtype=jnp.float32)
    edge_index = jax.random.randint(ks[1], (2, E), 0, N, dtype=jnp.int32)
    graph_index = jnp.arange(N, dtype=jnp.int32)
    s = 1.0 / np.sqrt(D)
    W1 = jax.random.uniform(ks[2], (D, D), dtype=jnp.float32, minval=-s, maxval=s)
    b1 = jax.random.uniform(ks[3], (D,), dtype=jnp.float32, minval=-s, maxval=s)
    W2 = jax.random.uniform(ks[4], (D, D), dtype=jnp.float32, minval=-s, maxval=s)
    b2 = jax.random.uniform(ks[5], (D,), dtype=jnp.float32, minval=-s, maxval=s)
    ln1_g = jnp.ones((D,), dtype=jnp.float32)
    ln1_b = jnp.zeros((D,), dtype=jnp.float32)
    ln2_g = jnp.ones((D,), dtype=jnp.float32)
    ln2_b = jnp.zeros((D,), dtype=jnp.float32)
    return {"edge_graph": edge_graph, "edge_index": edge_index, "graph_index": graph_index,
            "W1": W1, "b1": b1, "W2": W2, "b2": b2,
            "ln1_g": ln1_g, "ln1_b": ln1_b, "ln2_g": ln2_g, "ln2_b": ln2_b}

def reference(edge_graph, edge_index, graph_index, W1, b1, W2, b2, ln1_g, ln1_b, ln2_g, ln2_b):
    num_segments = graph_index.shape[0]
    seg = edge_index[1]
    sums = jax.ops.segment_sum(edge_graph, seg, num_segments=num_segments)
    cnt = jax.ops.segment_sum(jnp.ones((edge_graph.shape[0],), dtype=edge_graph.dtype), seg, num_segments=num_segments)
    h = sums / jnp.clip(cnt, 1.0)[:, None]
    h = layer_norm(h, ln1_g, ln1_b)
    z = h @ W1.T + b1
    z = jax.nn.gelu(z, approximate=False)
    # dropout p=0.0 -> identity
    z = z @ W2.T + b2
    z = layer_norm(h + z, ln2_g, ln2_b)
    return z

if __name__ == "__main__":
    import jax
    _d = setup_inputs()
    print(jax.jit(kernel)(*tuple(_d.values())))

</pallas_src>

<mosaic_0001>
#map = affine_map<(d0, d1) -> (0, 0)>
#map1 = affine_map<(d0, d1) -> (0, 0, 0)>
module attributes {stable_mosaic.version = 14 : i64} {
  func.func @_sum_body(%arg0: i32, %arg1: i32, %arg2: memref<320000x128xf32, #tpu.memory_space<hbm>>, %arg3: memref<32x78x128xi32, #tpu.memory_space<hbm>>, %arg4: memref<32x16xi32, #tpu.memory_space<hbm>>, %arg5: memref<20480x128xf32, #tpu.memory_space<hbm>>, %arg6: memref<128x128xf32, #tpu.memory_space<vmem>>, %arg7: memref<128x128xf32, #tpu.memory_space<vmem>>, %arg8: memref<78x128xi32, #tpu.memory_space<vmem>>, %arg9: memref<16xi32, #tpu.memory_space<vmem>>, %arg10: memref<10240x128xf32, #tpu.memory_space<vmem_shared>>, %arg11: memref<!tpu.dma_semaphore, #tpu.memory_space<semaphore_mem>>, %arg12: memref<!tpu.dma_semaphore, #tpu.memory_space<semaphore_mem>>) attributes {dimension_semantics = [#tpu.dimension_semantics<core_parallel>, #tpu.dimension_semantics<subcore_parallel>], iteration_bounds = array<i64: 2, 16>, scalar_prefetch = 0 : i64, scratch_operands = 7 : i64, tpu.core_type = #tpu.core_type<sc_vector_subcore>, window_params = [{transform_indices = #map}, {transform_indices = #map1}, {transform_indices = #map}, {transform_indices = #map}]} {
    %mul3A = arith.constant 2 : i32
    %mul3A_0 = arith.muli %arg1, %mul3A : i32
    %add3A = arith.addi %mul3A_0, %arg0 : i32
    %mul3A_1 = arith.constant 10000 : i32
    %mul3A_2 = arith.muli %add3A, %mul3A_1 : i32
    %mul3A_3 = arith.constant 10240 : i32
    %mul3A_4 = arith.muli %arg0, %mul3A_3 : i32
    "tpu.region"() ({
      %run_scoped3A = tpu.sem_alloc : memref<!tpu.dma_semaphore, #tpu.memory_space<semaphore_mem>>
      %dma_start3A_69 = arith.constant 0 : i32
      %dma_start3A_70 = arith.constant 0 : i32
      %dma_start3A_71 = tpu.memref_slice %arg3[%add3A, %dma_start3A_69, %dma_start3A_70] : memref<32x78x128xi32, #tpu.memory_space<hbm>> -> memref<1x78x128xi32, #tpu.memory_space<hbm>>
      %dma_start3A_72 = tpu.memref_squeeze %dma_start3A_71 : memref<1x78x128xi32, #tpu.memory_space<hbm>> -> memref<78x128xi32, #tpu.memory_space<hbm>>
      %dma_start3A_73 = arith.constant 0 : i32
      %dma_start3A_74 = arith.constant 0 : i32
      %dma_start3A_75 = tpu.memref_slice %arg3[%add3A, %dma_start3A_73, %dma_start3A_74] : memref<32x78x128xi32, #tpu.memory_space<hbm>> -> memref<1x78x128xi32, #tpu.memory_space<hbm>>
      %dma_start3A_76 = tpu.memref_squeeze %dma_start3A_75 : memref<1x78x128xi32, #tpu.memory_space<hbm>> -> memref<78x128xi32, #tpu.memory_space<hbm>>
      tpu.enqueue_dma source(%dma_start3A_76 : memref<78x128xi32, #tpu.memory_space<hbm>>) target(%arg8 : memref<78x128xi32, #tpu.memory_space<vmem>>) target_semaphore(%run_scoped3A : memref<!tpu.dma_semaphore, #tpu.memory_space<semaphore_mem>>)
      %dma_wait3A_77 = arith.constant 0 : i32
      %dma_wait3A_78 = arith.constant 0 : i32
      %dma_wait3A_79 = tpu.memref_slice %arg3[%add3A, %dma_wait3A_77, %dma_wait3A_78] : memref<32x78x128xi32, #tpu.memory_space<hbm>> -> memref<1x78x128xi32, #tpu.memory_space<hbm>>
      %dma_wait3A_80 = tpu.memref_squeeze %dma_wait3A_79 : memref<1x78x128xi32, #tpu.memory_space<hbm>> -> memref<78x128xi32, #tpu.memory_space<hbm>>
      %dma_wait3A_81 = arith.constant 0 : i32
      %dma_wait3A_82 = arith.constant 0 : i32
      %dma_wait3A_83 = tpu.memref_slice %arg3[%add3A, %dma_wait3A_81, %dma_wait3A_82] : memref<32x78x128xi32, #tpu.memory_space<hbm>> -> memref<1x78x128xi32, #tpu.memory_space<hbm>>
      %dma_wait3A_84 = tpu.memref_squeeze %dma_wait3A_83 : memref<1x78x128xi32, #tpu.memory_space<hbm>> -> memref<78x128xi32, #tpu.memory_space<hbm>>
      tpu.wait_dma2 semaphore(%run_scoped3A : memref<!tpu.dma_semaphore, #tpu.memory_space<semaphore_mem>>) src(%dma_wait3A_84 : memref<78x128xi32, #tpu.memory_space<hbm>>) dst(%arg8 : memref<78x128xi32, #tpu.memory_space<vmem>>)
      tpu.yield
    }) : () -> ()
    %broadcast_in_dim3A = arith.constant 0.000000e+00 : f32
    %broadcast_in_dim3A_5 = vector.broadcast %broadcast_in_dim3A : f32 to vector<16xf32>
    %scan3A = arith.constant 0 : i32
    %scan3A_6 = arith.constant 0 : i32
    %scan3A_7 = arith.constant 128 : i32
    %scan3A_8 = arith.addi %scan3A_6, %scan3A_7 : i32
    %scan3A_9 = arith.constant 1 : i32
    scf.for %scan3A_69 = %scan3A_6 to %scan3A_8 step %scan3A_9  : i32 {
      %swap3A = arith.index_cast %scan3A_69 : i32 to index
      %swap3A_70 = arith.constant 0 : index
      %swap3A_71 = tpu.vector_load %arg6[%swap3A, %swap3A_70] {strides = array<i32>} : memref<128x128xf32, #tpu.memory_space<vmem>>, vector<1x16xf32>,
      %swap3A_72 = vector.shape_cast %swap3A_71 : vector<1x16xf32> to vector<16xf32>
      %swap3A_73 = vector.shape_cast %broadcast_in_dim3A_5 : vector<16xf32> to vector<1x16xf32>
      tpu.vector_store %arg6[%swap3A, %swap3A_70], %swap3A_73 {strides = array<i32>} : memref<128x128xf32, #tpu.memory_space<vmem>>, vector<1x16xf32>,
      %swap3A_74 = arith.index_cast %scan3A_69 : i32 to index
      %swap3A_75 = arith.constant 16 : index
      %swap3A_76 = tpu.vector_load %arg6[%swap3A_74, %swap3A_75] {strides = array<i32>} : memref<128x128xf32, #tpu.memory_space<vmem>>, vector<1x16xf32>,
      %swap3A_77 = vector.shape_cast %swap3A_76 : vector<1x16xf32> to vector<16xf32>
      %swap3A_78 = vector.shape_cast %broadcast_in_dim3A_5 : vector<16xf32> to vector<1x16xf32>
      tpu.vector_store %arg6[%swap3A_74, %swap3A_75], %swap3A_78 {strides = array<i32>} : memref<128x128xf32, #tpu.memory_space<vmem>>, vector<1x16xf32>,
      %swap3A_79 = arith.index_cast %scan3A_69 : i32 to index
      %swap3A_80 = arith.constant 32 : index
      %swap3A_81 = tpu.vector_load %arg6[%swap3A_79, %swap3A_80] {strides = array<i32>} : memref<128x128xf32, #tpu.memory_space<vmem>>, vector<1x16xf32>,
      %swap3A_82 = vector.shape_cast %swap3A_81 : vector<1x16xf32> to vector<16xf32>
      %swap3A_83 = vector.shape_cast %broadcast_in_dim3A_5 : vector<16xf32> to vector<1x16xf32>
      tpu.vector_store %arg6[%swap3A_79, %swap3A_80], %swap3A_83 {strides = array<i32>} : memref<128x128xf32, #tpu.memory_space<vmem>>, vector<1x16xf32>,
      %swap3A_84 = arith.index_cast %scan3A_69 : i32 to index
      %swap3A_85 = arith.constant 48 : index
      %swap3A_86 = tpu.vector_load %arg6[%swap3A_84, %swap3A_85] {strides = array<i32>} : memref<128x128xf32, #tpu.memory_space<vmem>>, vector<1x16xf32>,
      %swap3A_87 = vector.shape_cast %swap3A_86 : vector<1x16xf32> to vector<16xf32>
      %swap3A_88 = vector.shape_cast %broadcast_in_dim3A_5 : vector<16xf32> to vector<1x16xf32>
      tpu.vector_store %arg6[%swap3A_84, %swap3A_85], %swap3A_88 {strides = array<i32>} : memref<128x128xf32, #tpu.memory_space<vmem>>, vector<1x16xf32>,
      %swap3A_89 = arith.index_cast %scan3A_69 : i32 to index
      %swap3A_90 = arith.constant 64 : index
      %swap3A_91 = tpu.vector_load %arg6[%swap3A_89, %swap3A_90] {strides = array<i32>} : memref<128x128xf32, #tpu.memory_space<vmem>>, vector<1x16xf32>,
      %swap3A_92 = vector.shape_cast %swap3A_91 : vector<1x16xf32> to vector<16xf32>
      %swap3A_93 = vector.shape_cast %broadcast_in_dim3A_5 : vector<16xf32> to vector<1x16xf32>
      tpu.vector_store %arg6[%swap3A_89, %swap3A_90], %swap3A_93 {strides = array<i32>} : memref<128x128xf32, #tpu.memory_space<vmem>>, vector<1x16xf32>,
      %swap3A_94 = arith.index_cast %scan3A_69 : i32 to index
      %swap3A_95 = arith.constant 80 : index
      %swap3A_96 = tpu.vector_load %arg6[%swap3A_94, %swap3A_95] {strides = array<i32>} : memref<128x128xf32, #tpu.memory_space<vmem>>, vector<1x16xf32>,
      %swap3A_97 = vector.shape_cast %swap3A_96 : vector<1x16xf32> to vector<16xf32>
      %swap3A_98 = vector.shape_cast %broadcast_in_dim3A_5 : vector<16xf32> to vector<1x16xf32>
      tpu.vector_store %arg6[%swap3A_94, %swap3A_95], %swap3A_98 {strides = array<i32>} : memref<128x128xf32, #tpu.memory_space<vmem>>, vector<1x16xf32>,
      %swap3A_99 = arith.index_cast %scan3A_69 : i32 to index
      %swap3A_100 = arith.constant 96 : index
      %swap3A_101 = tpu.vector_load %arg6[%swap3A_99, %swap3A_100] {strides = array<i32>} : memref<128x128xf32, #tpu.memory_space<vmem>>, vector<1x16xf32>,
      %swap3A_102 = vector.shape_cast %swap3A_101 : vector<1x16xf32> to vector<16xf32>
      %swap3A_103 = vector.shape_cast %broadcast_in_dim3A_5 : vector<16xf32> to vector<1x16xf32>
      tpu.vector_store %arg6[%swap3A_99, %swap3A_100], %swap3A_103 {strides = array<i32>} : memref<128x128xf32, #tpu.memory_space<vmem>>, vector<1x16xf32>,
      %swap3A_104 = arith.index_cast %scan3A_69 : i32 to index
      %swap3A_105 = arith.constant 112 : index
      %swap3A_106 = tpu.vector_load %arg6[%swap3A_104, %swap3A_105] {strides = array<i32>} : memref<128x128xf32, #tpu.memory_space<vmem>>, vector<1x16xf32>,
      %swap3A_107 = vector.shape_cast %swap3A_106 : vector<1x16xf32> to vector<16xf32>
      %swap3A_108 = vector.shape_cast %broadcast_in_dim3A_5 : vector<16xf32> to vector<1x16xf32>
      tpu.vector_store %arg6[%swap3A_104, %swap3A_105], %swap3A_108 {strides = array<i32>} : memref<128x128xf32, #tpu.memory_space<vmem>>, vector<1x16xf32>,
    }
    %scan3A_10 = arith.constant 128 : i32
    %mul3A_11 = arith.constant 640 : i32
    %mul3A_12 = arith.muli %arg1, %mul3A_11 : i32
    %add3A_13 = arith.constant 0 : i32
    %add3A_14 = arith.addi %mul3A_12, %add3A_13 : i32
    "tpu.region"() ({
      %run_scoped3A = tpu.sem_alloc : memref<!tpu.dma_semaphore, #tpu.memory_space<semaphore_mem>>
      %dma_start3A_69 = arith.constant 0 : i32
      %dma_start3A_70 = tpu.memref_slice %arg10[%add3A_14, %dma_start3A_69] : memref<10240x128xf32, #tpu.memory_space<vmem_shared>> -> memref<128x128xf32, #tpu.memory_space<vmem_shared>>
      %dma_start3A_71 = arith.constant 0 : i32
      %dma_start3A_72 = tpu.memref_slice %arg10[%add3A_14, %dma_start3A_71] : memref<10240x128xf32, #tpu.memory_space<vmem_shared>> -> memref<128x128xf32, #tpu.memory_space<vmem_shared>>
      tpu.enqueue_dma source(%arg6 : memref<128x128xf32, #tpu.memory_space<vmem>>) target(%dma_start3A_72 : memref<128x128xf32, #tpu.memory_space<vmem_shared>>) target_semaphore(%run_scoped3A : memref<!tpu.dma_semaphore, #tpu.memory_space<semaphore_mem>>)
      %dma_wait3A_73 = arith.constant 0 : i32
      %dma_wait3A_74 = tpu.memref_slice %arg10[%add3A_14, %dma_wait3A_73] : memref<10240x128xf32, #tpu.memory_space<vmem_shared>> -> memref<128x128xf32, #tpu.memory_space<vmem_shared>>
      %dma_wait3A_75 = arith.constant 0 : i32
      %dma_wait3A_76 = tpu.memref_slice %arg10[%add3A_14, %dma_wait3A_75] : memref<10240x128xf32, #tpu.memory_space<vmem_shared>> -> memref<128x128xf32, #tpu.memory_space<vmem_shared>>
      tpu.wait_dma2 semaphore(%run_scoped3A : memref<!tpu.dma_semaphore, #tpu.memory_space<semaphore_mem>>) src(%arg6 : memref<128x128xf32, #tpu.memory_space<vmem>>) dst(%dma_wait3A_76 : memref<128x128xf32, #tpu.memory_space<vmem_shared>>)
      tpu.yield
    }) : () -> ()
    %mul3A_15 = arith.constant 640 : i32
    %mul3A_16 = arith.muli %arg1, %mul3A_15 : i32
    %add3A_17 = arith.constant 128 : i32
    %add3A_18 = arith.addi %mul3A_16, %add3A_17 : i32
    "tpu.region"() ({
      %run_scoped3A = tpu.sem_alloc : memref<!tpu.dma_semaphore, #tpu.memory_space<semaphore_mem>>
      %dma_start3A_69 = arith.constant 0 : i32
      %dma_start3A_70 = tpu.memref_slice %arg10[%add3A_18, %dma_start3A_69] : memref<10240x128xf32, #tpu.memory_space<vmem_shared>> -> memref<128x128xf32, #tpu.memory_space<vmem_shared>>
      %dma_start3A_71 = arith.constant 0 : i32
      %dma_start3A_72 = tpu.memref_slice %arg10[%add3A_18, %dma_start3A_71] : memref<10240x128xf32, #tpu.memory_space<vmem_shared>> -> memref<128x128xf32, #tpu.memory_space<vmem_shared>>
      tpu.enqueue_dma source(%arg6 : memref<128x128xf32, #tpu.memory_space<vmem>>) target(%dma_start3A_72 : memref<128x128xf32, #tpu.memory_space<vmem_shared>>) target_semaphore(%run_scoped3A : memref<!tpu.dma_semaphore, #tpu.memory_space<semaphore_mem>>)
      %dma_wait3A_73 = arith.constant 0 : i32
      %dma_wait3A_74 = tpu.memref_slice %arg10[%add3A_18, %dma_wait3A_73] : memref<10240x128xf32, #tpu.memory_space<vmem_shared>> -> memref<128x128xf32, #tpu.memory_space<vmem_shared>>
      %dma_wait3A_75 = arith.constant 0 : i32
      %dma_wait3A_76 = tpu.memref_slice %arg10[%add3A_18, %dma_wait3A_75] : memref<10240x128xf32, #tpu.memory_space<vmem_shared>> -> memref<128x128xf32, #tpu.memory_space<vmem_shared>>
      tpu.wait_dma2 semaphore(%run_scoped3A : memref<!tpu.dma_semaphore, #tpu.memory_space<semaphore_mem>>) src(%arg6 : memref<128x128xf32, #tpu.memory_space<vmem>>) dst(%dma_wait3A_76 : memref<128x128xf32, #tpu.memory_space<vmem_shared>>)
      tpu.yield
    }) : () -> ()
    %mul3A_19 = arith.constant 640 : i32
    %mul3A_20 = arith.muli %arg1, %mul3A_19 : i32
    %add3A_21 = arith.constant 256 : i32
    %add3A_22 = arith.addi %mul3A_20, %add3A_21 : i32
    "tpu.region"() ({
      %run_scoped3A = tpu.sem_alloc : memref<!tpu.dma_semaphore, #tpu.memory_space<semaphore_mem>>
      %dma_start3A_69 = arith.constant 0 : i32
      %dma_start3A_70 = tpu.memref_slice %arg10[%add3A_22, %dma_start3A_69] : memref<10240x128xf32, #tpu.memory_space<vmem_shared>> -> memref<128x128xf32, #tpu.memory_space<vmem_shared>>
      %dma_start3A_71 = arith.constant 0 : i32
      %dma_start3A_72 = tpu.memref_slice %arg10[%add3A_22, %dma_start3A_71] : memref<10240x128xf32, #tpu.memory_space<vmem_shared>> -> memref<128x128xf32, #tpu.memory_space<vmem_shared>>
      tpu.enqueue_dma source(%arg6 : memref<128x128xf32, #tpu.memory_space<vmem>>) target(%dma_start3A_72 : memref<128x128xf32, #tpu.memory_space<vmem_shared>>) target_semaphore(%run_scoped3A : memref<!tpu.dma_semaphore, #tpu.memory_space<semaphore_mem>>)
      %dma_wait3A_73 = arith.constant 0 : i32
      %dma_wait3A_74 = tpu.memref_slice %arg10[%add3A_22, %dma_wait3A_73] : memref<10240x128xf32, #tpu.memory_space<vmem_shared>> -> memref<128x128xf32, #tpu.memory_space<vmem_shared>>
      %dma_wait3A_75 = arith.constant 0 : i32
      %dma_wait3A_76 = tpu.memref_slice %arg10[%add3A_22, %dma_wait3A_75] : memref<10240x128xf32, #tpu.memory_space<vmem_shared>> -> memref<128x128xf32, #tpu.memory_space<vmem_shared>>
      tpu.wait_dma2 semaphore(%run_scoped3A : memref<!tpu.dma_semaphore, #tpu.memory_space<semaphore_mem>>) src(%arg6 : memref<128x128xf32, #tpu.memory_space<vmem>>) dst(%dma_wait3A_76 : memref<128x128xf32, #tpu.memory_space<vmem_shared>>)
      tpu.yield
    }) : () -> ()
    %mul3A_23 = arith.constant 640 : i32
    %mul3A_24 = arith.muli %arg1, %mul3A_23 : i32
    %add3A_25 = arith.constant 384 : i32
    %add3A_26 = arith.addi %mul3A_24, %add3A_25 : i32
    "tpu.region"() ({
      %run_scoped3A = tpu.sem_alloc : memref<!tpu.dma_semaphore, #tpu.memory_space<semaphore_mem>>
      %dma_start3A_69 = arith.constant 0 : i32
      %dma_start3A_70 = tpu.memref_slice %arg10[%add3A_26, %dma_start3A_69] : memref<10240x128xf32, #tpu.memory_space<vmem_shared>> -> memref<128x128xf32, #tpu.memory_space<vmem_shared>>
      %dma_start3A_71 = arith.constant 0 : i32
      %dma_start3A_72 = tpu.memref_slice %arg10[%add3A_26, %dma_start3A_71] : memref<10240x128xf32, #tpu.memory_space<vmem_shared>> -> memref<128x128xf32, #tpu.memory_space<vmem_shared>>
      tpu.enqueue_dma source(%arg6 : memref<128x128xf32, #tpu.memory_space<vmem>>) target(%dma_start3A_72 : memref<128x128xf32, #tpu.memory_space<vmem_shared>>) target_semaphore(%run_scoped3A : memref<!tpu.dma_semaphore, #tpu.memory_space<semaphore_mem>>)
      %dma_wait3A_73 = arith.constant 0 : i32
      %dma_wait3A_74 = tpu.memref_slice %arg10[%add3A_26, %dma_wait3A_73] : memref<10240x128xf32, #tpu.memory_space<vmem_shared>> -> memref<128x128xf32, #tpu.memory_space<vmem_shared>>
      %dma_wait3A_75 = arith.constant 0 : i32
      %dma_wait3A_76 = tpu.memref_slice %arg10[%add3A_26, %dma_wait3A_75] : memref<10240x128xf32, #tpu.memory_space<vmem_shared>> -> memref<128x128xf32, #tpu.memory_space<vmem_shared>>
      tpu.wait_dma2 semaphore(%run_scoped3A : memref<!tpu.dma_semaphore, #tpu.memory_space<semaphore_mem>>) src(%arg6 : memref<128x128xf32, #tpu.memory_space<vmem>>) dst(%dma_wait3A_76 : memref<128x128xf32, #tpu.memory_space<vmem_shared>>)
      tpu.yield
    }) : () -> ()
    %mul3A_27 = arith.constant 640 : i32
    %mul3A_28 = arith.muli %arg1, %mul3A_27 : i32
    %add3A_29 = arith.constant 512 : i32
    %add3A_30 = arith.addi %mul3A_28, %add3A_29 : i32
    "tpu.region"() ({
      %run_scoped3A = tpu.sem_alloc : memref<!tpu.dma_semaphore, #tpu.memory_space<semaphore_mem>>
      %dma_start3A_69 = arith.constant 0 : i32
      %dma_start3A_70 = tpu.memref_slice %arg10[%add3A_30, %dma_start3A_69] : memref<10240x128xf32, #tpu.memory_space<vmem_shared>> -> memref<128x128xf32, #tpu.memory_space<vmem_shared>>
      %dma_start3A_71 = arith.constant 0 : i32
      %dma_start3A_72 = tpu.memref_slice %arg10[%add3A_30, %dma_start3A_71] : memref<10240x128xf32, #tpu.memory_space<vmem_shared>> -> memref<128x128xf32, #tpu.memory_space<vmem_shared>>
      tpu.enqueue_dma source(%arg6 : memref<128x128xf32, #tpu.memory_space<vmem>>) target(%dma_start3A_72 : memref<128x128xf32, #tpu.memory_space<vmem_shared>>) target_semaphore(%run_scoped3A : memref<!tpu.dma_semaphore, #tpu.memory_space<semaphore_mem>>)
      %dma_wait3A_73 = arith.constant 0 : i32
      %dma_wait3A_74 = tpu.memref_slice %arg10[%add3A_30, %dma_wait3A_73] : memref<10240x128xf32, #tpu.memory_space<vmem_shared>> -> memref<128x128xf32, #tpu.memory_space<vmem_shared>>
      %dma_wait3A_75 = arith.constant 0 : i32
      %dma_wait3A_76 = tpu.memref_slice %arg10[%add3A_30, %dma_wait3A_75] : memref<10240x128xf32, #tpu.memory_space<vmem_shared>> -> memref<128x128xf32, #tpu.memory_space<vmem_shared>>
      tpu.wait_dma2 semaphore(%run_scoped3A : memref<!tpu.dma_semaphore, #tpu.memory_space<semaphore_mem>>) src(%arg6 : memref<128x128xf32, #tpu.memory_space<vmem>>) dst(%dma_wait3A_76 : memref<128x128xf32, #tpu.memory_space<vmem_shared>>)
      tpu.yield
    }) : () -> ()
    %barrier3A = arith.constant 0 : index
    tpu.barrier barrier_id(%barrier3A)
    %scan3A_31 = arith.constant 0 : i32
    %scan3A_32 = arith.constant 0 : i32
    %scan3A_33 = arith.constant 39 : i32
    %scan3A_34 = arith.addi %scan3A_32, %scan3A_33 : i32
    %scan3A_35 = arith.constant 1 : i32
    scf.for %scan3A_69 = %scan3A_32 to %scan3A_34 step %scan3A_35  : i32 {
      %gt3A = arith.constant 0 : i32
      %gt3A_70 = arith.cmpi sgt, %scan3A_69, %gt3A : i32
      %convert_element_type3A = arith.extui %gt3A_70 : i1 to i32
      %cond3A = arith.constant 0 : i32
      %cond3A_71 = arith.cmpi ne, %convert_element_type3A, %cond3A : i32
      scf.if %cond3A_71 {
        %dma_wait3A_107 = arith.constant 0 : i32
        %dma_wait3A_108 = arith.constant 0 : i32
        %dma_wait3A_109 = tpu.memref_slice %arg8[%dma_wait3A_107, %dma_wait3A_108] : memref<78x128xi32, #tpu.memory_space<vmem>> -> memref<1x128xi32, #tpu.memory_space<vmem>>
        %dma_wait3A_110 = tpu.memref_squeeze %dma_wait3A_109 : memref<1x128xi32, #tpu.memory_space<vmem>> -> memref<128xi32, #tpu.memory_space<vmem>>
        %dma_wait3A_111 = arith.constant 0 : i32
        %dma_wait3A_112 = arith.constant 0 : i32
        %dma_wait3A_113 = tpu.memref_slice %arg10[%dma_wait3A_111, %dma_wait3A_112] : memref<10240x128xf32, #tpu.memory_space<vmem_shared>> -> memref<10240x128xf32, #tpu.memory_space<vmem_shared>>
        tpu.wait_indirect_dma semaphore(%arg11 : memref<!tpu.dma_semaphore, #tpu.memory_space<semaphore_mem>>) src(%arg6 : memref<128x128xf32, #tpu.memory_space<vmem>>) dst(%dma_wait3A_113 : memref<10240x128xf32, #tpu.memory_space<vmem_shared>>)
      } else {
      }
      %mul3A_72 = arith.constant 2 : i32
      %mul3A_73 = arith.muli %mul3A_72, %scan3A_69 : i32
      %mul3A_74 = arith.constant 128 : i32
      %mul3A_75 = arith.muli %mul3A_73, %mul3A_74 : i32
      %add3A_76 = arith.addi %mul3A_2, %mul3A_75 : i32
      "tpu.region"() ({
        %run_scoped3A = tpu.sem_alloc : memref<!tpu.dma_semaphore, #tpu.memory_space<semaphore_mem>>
        %dma_start3A_107 = arith.constant 0 : i32
        %dma_start3A_108 = tpu.memref_slice %arg2[%add3A_76, %dma_start3A_107] : memref<320000x128xf32, #tpu.memory_space<hbm>> -> memref<128x128xf32, #tpu.memory_space<hbm>>
        %dma_start3A_109 = arith.constant 0 : i32
        %dma_start3A_110 = tpu.memref_slice %arg2[%add3A_76, %dma_start3A_109] : memref<320000x128xf32, #tpu.memory_space<hbm>> -> memref<128x128xf32, #tpu.memory_space<hbm>>
        tpu.enqueue_dma source(%dma_start3A_110 : memref<128x128xf32, #tpu.memory_space<hbm>>) target(%arg6 : memref<128x128xf32, #tpu.memory_space<vmem>>) target_semaphore(%run_scoped3A : memref<!tpu.dma_semaphore, #tpu.memory_space<semaphore_mem>>)
        %dma_wait3A_111 = arith.constant 0 : i32
        %dma_wait3A_112 = tpu.memref_slice %arg2[%add3A_76, %dma_wait3A_111] : memref<320000x128xf32, #tpu.memory_space<hbm>> -> memref<128x128xf32, #tpu.memory_space<hbm>>
        %dma_wait3A_113 = arith.constant 0 : i32
        %dma_wait3A_114 = tpu.memref_slice %arg2[%add3A_76, %dma_wait3A_113] : memref<320000x128xf32, #tpu.memory_space<hbm>> -> memref<128x128xf32, #tpu.memory_space<hbm>>
        tpu.wait_dma2 semaphore(%run_scoped3A : memref<!tpu.dma_semaphore, #tpu.memory_space<semaphore_mem>>) src(%dma_wait3A_114 : memref<128x128xf32, #tpu.memory_space<hbm>>) dst(%arg6 : memref<128x128xf32, #tpu.memory_space<vmem>>)
        tpu.yield
      }) : () -> ()
      %mul3A_77 = arith.constant 2 : i32
      %mul3A_78 = arith.muli %mul3A_77, %scan3A_69 : i32
      %dma_start3A_79 = arith.constant 0 : i32
      %dma_start3A_80 = tpu.memref_slice %arg8[%mul3A_78, %dma_start3A_79] : memref<78x128xi32, #tpu.memory_space<vmem>> -> memref<1x128xi32, #tpu.memory_space<vmem>>
      %dma_start3A_81 = tpu.memref_squeeze %dma_start3A_80 : memref<1x128xi32, #tpu.memory_space<vmem>> -> memref<128xi32, #tpu.memory_space<vmem>>
      %dma_start3A_82 = arith.constant 0 : i32
      %dma_start3A_83 = arith.constant 0 : i32
      %dma_start3A_84 = tpu.memref_slice %arg10[%dma_start3A_82, %dma_start3A_83] : memref<10240x128xf32, #tpu.memory_space<vmem_shared>> -> memref<10240x128xf32, #tpu.memory_space<vmem_shared>>
      tpu.enqueue_indirect_dma source(%arg6 : memref<128x128xf32, #tpu.memory_space<vmem>>) target(%dma_start3A_84 : memref<10240x128xf32, #tpu.memory_space<vmem_shared>>) offsets(%dma_start3A_81 : memref<128xi32, #tpu.memory_space<vmem>>) semaphore(%arg11 : memref<!tpu.dma_semaphore, #tpu.memory_space<semaphore_mem>>) {add = true}
      %gt3A_85 = arith.constant 0 : i32
      %gt3A_86 = arith.cmpi sgt, %scan3A_69, %gt3A_85 : i32
      %convert_element_type3A_87 = arith.extui %gt3A_86 : i1 to i32
      %cond3A_88 = arith.constant 0 : i32
      %cond3A_89 = arith.cmpi ne, %convert_element_type3A_87, %cond3A_88 : i32
      scf.if %cond3A_89 {
        %dma_wait3A_107 = arith.constant 0 : i32
        %dma_wait3A_108 = arith.constant 0 : i32
        %dma_wait3A_109 = tpu.memref_slice %arg8[%dma_wait3A_107, %dma_wait3A_108] : memref<78x128xi32, #tpu.memory_space<vmem>> -> memref<1x128xi32, #tpu.memory_space<vmem>>
        %dma_wait3A_110 = tpu.memref_squeeze %dma_wait3A_109 : memref<1x128xi32, #tpu.memory_space<vmem>> -> memref<128xi32, #tpu.memory_space<vmem>>
        %dma_wait3A_111 = arith.constant 0 : i32
        %dma_wait3A_112 = arith.constant 0 : i32
        %dma_wait3A_113 = tpu.memref_slice %arg10[%dma_wait3A_111, %dma_wait3A_112] : memref<10240x128xf32, #tpu.memory_space<vmem_shared>> -> memref<10240x128xf32, #tpu.memory_space<vmem_shared>>
        tpu.wait_indirect_dma semaphore(%arg12 : memref<!tpu.dma_semaphore, #tpu.memory_space<semaphore_mem>>) src(%arg7 : memref<128x128xf32, #tpu.memory_space<vmem>>) dst(%dma_wait3A_113 : memref<10240x128xf32, #tpu.memory_space<vmem_shared>>)
      } else {
      }
      %mul3A_90 = arith.constant 2 : i32
      %mul3A_91 = arith.muli %mul3A_90, %scan3A_69 : i32
      %add3A_92 = arith.constant 1 : i32
      %add3A_93 = arith.addi %mul3A_91, %add3A_92 : i32
      %mul3A_94 = arith.constant 128 : i32
      %mul3A_95 = arith.muli %add3A_93, %mul3A_94 : i32
      %add3A_96 = arith.addi %mul3A_2, %mul3A_95 : i32
      "tpu.region"() ({
        %run_scoped3A = tpu.sem_alloc : memref<!tpu.dma_semaphore, #tpu.memory_space<semaphore_mem>>
        %dma_start3A_107 = arith.constant 0 : i32
        %dma_start3A_108 = tpu.memref_slice %arg2[%add3A_96, %dma_start3A_107] : memref<320000x128xf32, #tpu.memory_space<hbm>> -> memref<128x128xf32, #tpu.memory_space<hbm>>
        %dma_start3A_109 = arith.constant 0 : i32
        %dma_start3A_110 = tpu.memref_slice %arg2[%add3A_96, %dma_start3A_109] : memref<320000x128xf32, #tpu.memory_space<hbm>> -> memref<128x128xf32, #tpu.memory_space<hbm>>
        tpu.enqueue_dma source(%dma_start3A_110 : memref<128x128xf32, #tpu.memory_space<hbm>>) target(%arg7 : memref<128x128xf32, #tpu.memory_space<vmem>>) target_semaphore(%run_scoped3A : memref<!tpu.dma_semaphore, #tpu.memory_space<semaphore_mem>>)
        %dma_wait3A_111 = arith.constant 0 : i32
        %dma_wait3A_112 = tpu.memref_slice %arg2[%add3A_96, %dma_wait3A_111] : memref<320000x128xf32, #tpu.memory_space<hbm>> -> memref<128x128xf32, #tpu.memory_space<hbm>>
        %dma_wait3A_113 = arith.constant 0 : i32
        %dma_wait3A_114 = tpu.memref_slice %arg2[%add3A_96, %dma_wait3A_113] : memref<320000x128xf32, #tpu.memory_space<hbm>> -> memref<128x128xf32, #tpu.memory_space<hbm>>
        tpu.wait_dma2 semaphore(%run_scoped3A : memref<!tpu.dma_semaphore, #tpu.memory_space<semaphore_mem>>) src(%dma_wait3A_114 : memref<128x128xf32, #tpu.memory_space<hbm>>) dst(%arg7 : memref<128x128xf32, #tpu.memory_space<vmem>>)
        tpu.yield
      }) : () -> ()
      %mul3A_97 = arith.constant 2 : i32
      %mul3A_98 = arith.muli %mul3A_97, %scan3A_69 : i32
      %add3A_99 = arith.constant 1 : i32
      %add3A_100 = arith.addi %mul3A_98, %add3A_99 : i32
      %dma_start3A_101 = arith.constant 0 : i32
      %dma_start3A_102 = tpu.memref_slice %arg8[%add3A_100, %dma_start3A_101] : memref<78x128xi32, #tpu.memory_space<vmem>> -> memref<1x128xi32, #tpu.memory_space<vmem>>
      %dma_start3A_103 = tpu.memref_squeeze %dma_start3A_102 : memref<1x128xi32, #tpu.memory_space<vmem>> -> memref<128xi32, #tpu.memory_space<vmem>>
      %dma_start3A_104 = arith.constant 0 : i32
      %dma_start3A_105 = arith.constant 0 : i32
      %dma_start3A_106 = tpu.memref_slice %arg10[%dma_start3A_104, %dma_start3A_105] : memref<10240x128xf32, #tpu.memory_space<vmem_shared>> -> memref<10240x128xf32, #tpu.memory_space<vmem_shared>>
      tpu.enqueue_indirect_dma source(%arg7 : memref<128x128xf32, #tpu.memory_space<vmem>>) target(%dma_start3A_106 : memref<10240x128xf32, #tpu.memory_space<vmem_shared>>) offsets(%dma_start3A_103 : memref<128xi32, #tpu.memory_space<vmem>>) semaphore(%arg12 : memref<!tpu.dma_semaphore, #tpu.memory_space<semaphore_mem>>) {add = true}
    }
    %scan3A_36 = arith.constant 39 : i32
    %dma_wait3A = arith.constant 0 : i32
    %dma_wait3A_37 = arith.constant 0 : i32
    %dma_wait3A_38 = tpu.memref_slice %arg8[%dma_wait3A, %dma_wait3A_37] : memref<78x128xi32, #tpu.memory_space<vmem>> -> memref<1x128xi32, #tpu.memory_space<vmem>>
    %dma_wait3A_39 = tpu.memref_squeeze %dma_wait3A_38 : memref<1x128xi32, #tpu.memory_space<vmem>> -> memref<128xi32, #tpu.memory_space<vmem>>
    %dma_wait3A_40 = arith.constant 0 : i32
    %dma_wait3A_41 = arith.constant 0 : i32
    %dma_wait3A_42 = tpu.memref_slice %arg10[%dma_wait3A_40, %dma_wait3A_41] : memref<10240x128xf32, #tpu.memory_space<vmem_shared>> -> memref<10240x128xf32, #tpu.memory_space<vmem_shared>>
    tpu.wait_indirect_dma semaphore(%arg11 : memref<!tpu.dma_semaphore, #tpu.memory_space<semaphore_mem>>) src(%arg6 : memref<128x128xf32, #tpu.memory_space<vmem>>) dst(%dma_wait3A_42 : memref<10240x128xf32, #tpu.memory_space<vmem_shared>>)
    "tpu.region"() ({
      %run_scoped3A = tpu.sem_alloc : memref<!tpu.dma_semaphore, #tpu.memory_space<semaphore_mem>>
      %dma_start3A_69 = arith.constant 0 : i32
      %dma_start3A_70 = tpu.memref_slice %arg4[%add3A, %dma_start3A_69] : memref<32x16xi32, #tpu.memory_space<hbm>> -> memref<1x16xi32, #tpu.memory_space<hbm>>
      %dma_start3A_71 = tpu.memref_squeeze %dma_start3A_70 : memref<1x16xi32, #tpu.memory_space<hbm>> -> memref<16xi32, #tpu.memory_space<hbm>>
      %dma_start3A_72 = arith.constant 0 : i32
      %dma_start3A_73 = tpu.memref_slice %arg4[%add3A, %dma_start3A_72] : memref<32x16xi32, #tpu.memory_space<hbm>> -> memref<1x16xi32, #tpu.memory_space<hbm>>
      %dma_start3A_74 = tpu.memref_squeeze %dma_start3A_73 : memref<1x16xi32, #tpu.memory_space<hbm>> -> memref<16xi32, #tpu.memory_space<hbm>>
      tpu.enqueue_dma source(%dma_start3A_74 : memref<16xi32, #tpu.memory_space<hbm>>) target(%arg9 : memref<16xi32, #tpu.memory_space<vmem>>) target_semaphore(%run_scoped3A : memref<!tpu.dma_semaphore, #tpu.memory_space<semaphore_mem>>)
      %dma_wait3A_75 = arith.constant 0 : i32
      %dma_wait3A_76 = tpu.memref_slice %arg4[%add3A, %dma_wait3A_75] : memref<32x16xi32, #tpu.memory_space<hbm>> -> memref<1x16xi32, #tpu.memory_space<hbm>>
      %dma_wait3A_77 = tpu.memref_squeeze %dma_wait3A_76 : memref<1x16xi32, #tpu.memory_space<hbm>> -> memref<16xi32, #tpu.memory_space<hbm>>
      %dma_wait3A_78 = arith.constant 0 : i32
      %dma_wait3A_79 = tpu.memref_slice %arg4[%add3A, %dma_wait3A_78] : memref<32x16xi32, #tpu.memory_space<hbm>> -> memref<1x16xi32, #tpu.memory_space<hbm>>
      %dma_wait3A_80 = tpu.memref_squeeze %dma_wait3A_79 : memref<1x16xi32, #tpu.memory_space<hbm>> -> memref<16xi32, #tpu.memory_space<hbm>>
      tpu.wait_dma2 semaphore(%run_scoped3A : memref<!tpu.dma_semaphore, #tpu.memory_space<semaphore_mem>>) src(%dma_wait3A_80 : memref<16xi32, #tpu.memory_space<hbm>>) dst(%arg9 : memref<16xi32, #tpu.memory_space<vmem>>)
      tpu.yield
    }) : () -> ()
    %add3A_43 = arith.constant 9984 : i32
    %add3A_44 = arith.addi %mul3A_2, %add3A_43 : i32
    "tpu.region"() ({
      %run_scoped3A = tpu.sem_alloc : memref<!tpu.dma_semaphore, #tpu.memory_space<semaphore_mem>>
      %dma_start3A_69 = arith.constant 0 : i32
      %dma_start3A_70 = arith.constant 0 : i32
      %dma_start3A_71 = tpu.memref_slice %arg6[%dma_start3A_69, %dma_start3A_70] : memref<128x128xf32, #tpu.memory_space<vmem>> -> memref<16x128xf32, #tpu.memory_space<vmem>>
      %dma_start3A_72 = arith.constant 0 : i32
      %dma_start3A_73 = tpu.memref_slice %arg2[%add3A_44, %dma_start3A_72] : memref<320000x128xf32, #tpu.memory_space<hbm>> -> memref<16x128xf32, #tpu.memory_space<hbm>>
      %dma_start3A_74 = arith.constant 0 : i32
      %dma_start3A_75 = arith.constant 0 : i32
      %dma_start3A_76 = tpu.memref_slice %arg6[%dma_start3A_74, %dma_start3A_75] : memref<128x128xf32, #tpu.memory_space<vmem>> -> memref<16x128xf32, #tpu.memory_space<vmem>>
      %dma_start3A_77 = arith.constant 0 : i32
      %dma_start3A_78 = tpu.memref_slice %arg2[%add3A_44, %dma_start3A_77] : memref<320000x128xf32, #tpu.memory_space<hbm>> -> memref<16x128xf32, #tpu.memory_space<hbm>>
      tpu.enqueue_dma source(%dma_start3A_78 : memref<16x128xf32, #tpu.memory_space<hbm>>) target(%dma_start3A_76 : memref<16x128xf32, #tpu.memory_space<vmem>>) target_semaphore(%run_scoped3A : memref<!tpu.dma_semaphore, #tpu.memory_space<semaphore_mem>>)
      %dma_wait3A_79 = arith.constant 0 : i32
      %dma_wait3A_80 = arith.constant 0 : i32
      %dma_wait3A_81 = tpu.memref_slice %arg6[%dma_wait3A_79, %dma_wait3A_80] : memref<128x128xf32, #tpu.memory_space<vmem>> -> memref<16x128xf32, #tpu.memory_space<vmem>>
      %dma_wait3A_82 = arith.constant 0 : i32
      %dma_wait3A_83 = tpu.memref_slice %arg2[%add3A_44, %dma_wait3A_82] : memref<320000x128xf32, #tpu.memory_space<hbm>> -> memref<16x128xf32, #tpu.memory_space<hbm>>
      %dma_wait3A_84 = arith.constant 0 : i32
      %dma_wait3A_85 = arith.constant 0 : i32
      %dma_wait3A_86 = tpu.memref_slice %arg6[%dma_wait3A_84, %dma_wait3A_85] : memref<128x128xf32, #tpu.memory_space<vmem>> -> memref<16x128xf32, #tpu.memory_space<vmem>>
      %dma_wait3A_87 = arith.constant 0 : i32
      %dma_wait3A_88 = tpu.memref_slice %arg2[%add3A_44, %dma_wait3A_87] : memref<320000x128xf32, #tpu.memory_space<hbm>> -> memref<16x128xf32, #tpu.memory_space<hbm>>
      tpu.wait_dma2 semaphore(%run_scoped3A : memref<!tpu.dma_semaphore, #tpu.memory_space<semaphore_mem>>) src(%dma_wait3A_88 : memref<16x128xf32, #tpu.memory_space<hbm>>) dst(%dma_wait3A_86 : memref<16x128xf32, #tpu.memory_space<vmem>>)
      tpu.yield
    }) : () -> ()
    %dma_start3A = arith.constant 0 : i32
    %dma_start3A_45 = arith.constant 0 : i32
    %dma_start3A_46 = tpu.memref_slice %arg6[%dma_start3A, %dma_start3A_45] : memref<128x128xf32, #tpu.memory_space<vmem>> -> memref<16x128xf32, #tpu.memory_space<vmem>>
    %dma_start3A_47 = arith.constant 0 : i32
    %dma_start3A_48 = arith.constant 0 : i32
    %dma_start3A_49 = tpu.memref_slice %arg10[%dma_start3A_47, %dma_start3A_48] : memref<10240x128xf32, #tpu.memory_space<vmem_shared>> -> memref<10240x128xf32, #tpu.memory_space<vmem_shared>>
    tpu.enqueue_indirect_dma source(%dma_start3A_46 : memref<16x128xf32, #tpu.memory_space<vmem>>) target(%dma_start3A_49 : memref<10240x128xf32, #tpu.memory_space<vmem_shared>>) offsets(%arg9 : memref<16xi32, #tpu.memory_space<vmem>>) semaphore(%arg11 : memref<!tpu.dma_semaphore, #tpu.memory_space<semaphore_mem>>) {add = true}
    %dma_wait3A_50 = arith.constant 0 : i32
    %dma_wait3A_51 = arith.constant 0 : i32
    %dma_wait3A_52 = tpu.memref_slice %arg6[%dma_wait3A_50, %dma_wait3A_51] : memref<128x128xf32, #tpu.memory_space<vmem>> -> memref<16x128xf32, #tpu.memory_space<vmem>>
    %dma_wait3A_53 = arith.constant 0 : i32
    %dma_wait3A_54 = arith.constant 0 : i32
    %dma_wait3A_55 = tpu.memref_slice %arg10[%dma_wait3A_53, %dma_wait3A_54] : memref<10240x128xf32, #tpu.memory_space<vmem_shared>> -> memref<10240x128xf32, #tpu.memory_space<vmem_shared>>
    tpu.wait_indirect_dma semaphore(%arg11 : memref<!tpu.dma_semaphore, #tpu.memory_space<semaphore_mem>>) src(%dma_wait3A_52 : memref<16x128xf32, #tpu.memory_space<vmem>>) dst(%dma_wait3A_55 : memref<10240x128xf32, #tpu.memory_space<vmem_shared>>)
    %dma_wait3A_56 = arith.constant 0 : i32
    %dma_wait3A_57 = arith.constant 0 : i32
    %dma_wait3A_58 = tpu.memref_slice %arg8[%dma_wait3A_56, %dma_wait3A_57] : memref<78x128xi32, #tpu.memory_space<vmem>> -> memref<1x128xi32, #tpu.memory_space<vmem>>
    %dma_wait3A_59 = tpu.memref_squeeze %dma_wait3A_58 : memref<1x128xi32, #tpu.memory_space<vmem>> -> memref<128xi32, #tpu.memory_space<vmem>>
    %dma_wait3A_60 = arith.constant 0 : i32
    %dma_wait3A_61 = arith.constant 0 : i32
    %dma_wait3A_62 = tpu.memref_slice %arg10[%dma_wait3A_60, %dma_wait3A_61] : memref<10240x128xf32, #tpu.memory_space<vmem_shared>> -> memref<10240x128xf32, #tpu.memory_space<vmem_shared>>
    tpu.wait_indirect_dma semaphore(%arg12 : memref<!tpu.dma_semaphore, #tpu.memory_space<semaphore_mem>>) src(%arg7 : memref<128x128xf32, #tpu.memory_space<vmem>>) dst(%dma_wait3A_62 : memref<10240x128xf32, #tpu.memory_space<vmem_shared>>)
    %barrier3A_63 = arith.constant 0 : index
    tpu.barrier barrier_id(%barrier3A_63)
    %mul3A_64 = arith.constant 640 : i32
    %mul3A_65 = arith.muli %arg1, %mul3A_64 : i32
    %mul3A_66 = arith.constant 640 : i32
    %mul3A_67 = arith.muli %arg1, %mul3A_66 : i32
    %add3A_68 = arith.addi %mul3A_4, %mul3A_67 : i32
    "tpu.region"() ({
      %run_scoped3A = tpu.sem_alloc : memref<!tpu.dma_semaphore, #tpu.memory_space<semaphore_mem>>
      %dma_start3A_69 = arith.constant 0 : i32
      %dma_start3A_70 = tpu.memref_slice %arg5[%add3A_68, %dma_start3A_69] : memref<20480x128xf32, #tpu.memory_space<hbm>> -> memref<640x128xf32, #tpu.memory_space<hbm>>
      %dma_start3A_71 = arith.constant 0 : i32
      %dma_start3A_72 = tpu.memref_slice %arg10[%mul3A_65, %dma_start3A_71] : memref<10240x128xf32, #tpu.memory_space<vmem_shared>> -> memref<640x128xf32, #tpu.memory_space<vmem_shared>>
      tpu.enqueue_dma source(%dma_start3A_72 : memref<640x128xf32, #tpu.memory_space<vmem_shared>>) target(%dma_start3A_70 : memref<640x128xf32, #tpu.memory_space<hbm>>) target_semaphore(%run_scoped3A : memref<!tpu.dma_semaphore, #tpu.memory_space<semaphore_mem>>)
      %dma_wait3A_73 = arith.constant 0 : i32
      %dma_wait3A_74 = tpu.memref_slice %arg5[%add3A_68, %dma_wait3A_73] : memref<20480x128xf32, #tpu.memory_space<hbm>> -> memref<640x128xf32, #tpu.memory_space<hbm>>
      %dma_wait3A_75 = arith.constant 0 : i32
      %dma_wait3A_76 = tpu.memref_slice %arg10[%mul3A_65, %dma_wait3A_75] : memref<10240x128xf32, #tpu.memory_space<vmem_shared>> -> memref<640x128xf32, #tpu.memory_space<vmem_shared>>
      tpu.wait_dma2 semaphore(%run_scoped3A : memref<!tpu.dma_semaphore, #tpu.memory_space<semaphore_mem>>) src(%dma_wait3A_76 : memref<640x128xf32, #tpu.memory_space<vmem_shared>>) dst(%dma_wait3A_74 : memref<640x128xf32, #tpu.memory_space<hbm>>)
      tpu.yield
    }) : () -> ()
    return
  }
}

module attributes {stable_mosaic.version = 14 : i64} {
  func.func @_tc_body(%arg0: i32, %arg1: memref<2x400x128xf32, #tpu.memory_space<vmem>>, %arg2: memref<128x128xf32, #tpu.memory_space<vmem>>, %arg3: memref<1x128xf32, #tpu.memory_space<vmem>>, %arg4: memref<128x128xf32, #tpu.memory_space<vmem>>, %arg5: memref<1x128xf32, #tpu.memory_space<vmem>>, %arg6: memref<1x128xf32, #tpu.memory_space<vmem>>, %arg7: memref<1x128xf32, #tpu.memory_space<vmem>>, %arg8: memref<1x128xf32, #tpu.memory_space<vmem>>, %arg9: memref<1x128xf32, #tpu.memory_space<vmem>>, %arg10: memref<400x128xf32, #tpu.memory_space<vmem>>) attributes {dimension_semantics = [#tpu.dimension_semantics<arbitrary>], iteration_bounds = array<i64: 25>, scalar_prefetch = 0 : i64, scratch_operands = 0 : i64, tpu.core_type = #tpu.core_type<tc>, window_params = [{transform_indices = @transform_0, window_bounds = array<i64: 2, 400, 128>}, {pipeline_mode = #tpu.pipeline_mode<synchronous>, transform_indices = @transform_1, window_bounds = array<i64: 128, 128>}, {pipeline_mode = #tpu.pipeline_mode<synchronous>, transform_indices = @transform_2, window_bounds = array<i64: 1, 128>}, {pipeline_mode = #tpu.pipeline_mode<synchronous>, transform_indices = @transform_3, window_bounds = array<i64: 128, 128>}, {pipeline_mode = #tpu.pipeline_mode<synchronous>, transform_indices = @transform_4, window_bounds = array<i64: 1, 128>}, {pipeline_mode = #tpu.pipeline_mode<synchronous>, transform_indices = @transform_5, window_bounds = array<i64: 1, 128>}, {pipeline_mode = #tpu.pipeline_mode<synchronous>, transform_indices = @transform_6, window_bounds = array<i64: 1, 128>}, {pipeline_mode = #tpu.pipeline_mode<synchronous>, transform_indices = @transform_7, window_bounds = array<i64: 1, 128>}, {pipeline_mode = #tpu.pipeline_mode<synchronous>, transform_indices = @transform_8, window_bounds = array<i64: 1, 128>}, {transform_indices = @transform_9, window_bounds = array<i64: 400, 128>}]} {
    %get3A = arith.constant 0 : index
    %get3A_0 = arith.constant 0 : index
    %get3A_1 = arith.constant 0 : index
    %get3A_2 = vector.load %arg1[%get3A, %get3A_0, %get3A_1] : memref<2x400x128xf32, #tpu.memory_space<vmem>>, vector<1x400x128xf32>
    %get3A_3 = vector.shape_cast %get3A_2 : vector<1x400x128xf32> to vector<400x128xf32>
    %get3A_4 = arith.constant 1 : index
    %get3A_5 = arith.constant 0 : index
    %get3A_6 = arith.constant 0 : index
    %get3A_7 = vector.load %arg1[%get3A_4, %get3A_5, %get3A_6] : memref<2x400x128xf32, #tpu.memory_space<vmem>>, vector<1x400x128xf32>
    %get3A_8 = vector.shape_cast %get3A_7 : vector<1x400x128xf32> to vector<400x128xf32>
    %add3A = arith.addf %get3A_3, %get3A_8 : vector<400x128xf32>
    %reduce_sum3A = arith.constant dense<0.000000e+00> : vector<400xf32>
    %reduce_sum3A_9 = vector.multi_reduction <add>, %add3A, %reduce_sum3A [1] : vector<400x128xf32> to vector<400xf32>
    %broadcast_in_dim3A = vector.shape_cast %reduce_sum3A_9 : vector<400xf32> to vector<400x1xf32>
    %div3A = arith.constant 1.280000e+02 : f32
    %div3A_10 = vector.broadcast %div3A : f32 to vector<400x1xf32>
    %div3A_11 = arith.divf %broadcast_in_dim3A, %div3A_10 : vector<400x1xf32>
    %sub3A = vector.broadcast %div3A_11 : vector<400x1xf32> to vector<400x128xf32>
    %sub3A_12 = arith.subf %add3A, %sub3A : vector<400x128xf32>
    %mul3A = arith.mulf %sub3A_12, %sub3A_12 : vector<400x128xf32>
    %reduce_sum3A_13 = arith.constant dense<0.000000e+00> : vector<400xf32>
    %reduce_sum3A_14 = vector.multi_reduction <add>, %mul3A, %reduce_sum3A_13 [1] : vector<400x128xf32> to vector<400xf32>
    %broadcast_in_dim3A_15 = vector.shape_cast %reduce_sum3A_14 : vector<400xf32> to vector<400x1xf32>
    %div3A_16 = arith.constant 1.280000e+02 : f32
    %div3A_17 = vector.broadcast %div3A_16 : f32 to vector<400x1xf32>
    %div3A_18 = arith.divf %broadcast_in_dim3A_15, %div3A_17 : vector<400x1xf32>
    %add3A_19 = arith.constant 9.99999974E-6 : f32
    %add3A_20 = vector.broadcast %add3A_19 : f32 to vector<400x1xf32>
    %add3A_21 = arith.addf %div3A_18, %add3A_20 : vector<400x1xf32>
    %rsqrt3A = math.rsqrt %add3A_21 : vector<400x1xf32>
    %mul3A_22 = vector.broadcast %rsqrt3A : vector<400x1xf32> to vector<400x128xf32>
    %mul3A_23 = arith.mulf %sub3A_12, %mul3A_22 : vector<400x128xf32>
    %get3A_24 = arith.constant 0 : index
    %get3A_25 = arith.constant 0 : index
    %get3A_26 = vector.load %arg6[%get3A_24, %get3A_25] : memref<1x128xf32, #tpu.memory_space<vmem>>, vector<1x128xf32>
    %mul3A_27 = vector.broadcast %get3A_26 : vector<1x128xf32> to vector<400x128xf32>
    %mul3A_28 = arith.mulf %mul3A_23, %mul3A_27 : vector<400x128xf32>
    %get3A_29 = arith.constant 0 : index
    %get3A_30 = arith.constant 0 : index
    %get3A_31 = vector.load %arg7[%get3A_29, %get3A_30] : memref<1x128xf32, #tpu.memory_space<vmem>>, vector<1x128xf32>
    %add3A_32 = vector.broadcast %get3A_31 : vector<1x128xf32> to vector<400x128xf32>
    %add3A_33 = arith.addf %mul3A_28, %add3A_32 : vector<400x128xf32>
    %get3A_34 = arith.constant 0 : index
    %get3A_35 = arith.constant 0 : index
    %get3A_36 = vector.load %arg2[%get3A_34, %get3A_35] : memref<128x128xf32, #tpu.memory_space<vmem>>, vector<128x128xf32>
    %dot_general3A = arith.constant dense<0.000000e+00> : vector<400x128xf32>
    %dot_general3A_37 = tpu.matmul %add3A_33, %get3A_36, %dot_general3A {dimension_numbers = #tpu.dot_dimension_numbers<[1], [0], [0], [1], [0, 0, 1, 1], [], []>, transpose_lhs_hint = false} : vector<400x128xf32>, vector<128x128xf32>, vector<400x128xf32> -> vector<400x128xf32>
    %get3A_38 = arith.constant 0 : index
    %get3A_39 = arith.constant 0 : index
    %get3A_40 = vector.load %arg3[%get3A_38, %get3A_39] : memref<1x128xf32, #tpu.memory_space<vmem>>, vector<1x128xf32>
    %add3A_41 = vector.broadcast %get3A_40 : vector<1x128xf32> to vector<400x128xf32>
    %add3A_42 = arith.addf %dot_general3A_37, %add3A_41 : vector<400x128xf32>
    %mul3A_43 = arith.constant 5.000000e-01 : f32
    %mul3A_44 = vector.broadcast %mul3A_43 : f32 to vector<400x128xf32>
    %mul3A_45 = arith.mulf %mul3A_44, %add3A_42 : vector<400x128xf32>
    %mul3A_46 = arith.constant 0.707106769 : f32
    %mul3A_47 = vector.broadcast %mul3A_46 : f32 to vector<400x128xf32>
    %mul3A_48 = arith.mulf %add3A_42, %mul3A_47 : vector<400x128xf32>
    %erf3A = math.erf %mul3A_48 : vector<400x128xf32>
    %add3A_49 = arith.constant 1.000000e+00 : f32
    %add3A_50 = vector.broadcast %add3A_49 : f32 to vector<400x128xf32>
    %add3A_51 = arith.addf %add3A_50, %erf3A : vector<400x128xf32>
    %mul3A_52 = arith.mulf %mul3A_45, %add3A_51 : vector<400x128xf32>
    %get3A_53 = arith.constant 0 : index
    %get3A_54 = arith.constant 0 : index
    %get3A_55 = vector.load %arg4[%get3A_53, %get3A_54] : memref<128x128xf32, #tpu.memory_space<vmem>>, vector<128x128xf32>
    %dot_general3A_56 = arith.constant dense<0.000000e+00> : vector<400x128xf32>
    %dot_general3A_57 = tpu.matmul %mul3A_52, %get3A_55, %dot_general3A_56 {dimension_numbers = #tpu.dot_dimension_numbers<[1], [0], [0], [1], [0, 0, 1, 1], [], []>, transpose_lhs_hint = false} : vector<400x128xf32>, vector<128x128xf32>, vector<400x128xf32> -> vector<400x128xf32>
    %get3A_58 = arith.constant 0 : index
    %get3A_59 = arith.constant 0 : index
    %get3A_60 = vector.load %arg5[%get3A_58, %get3A_59] : memref<1x128xf32, #tpu.memory_space<vmem>>, vector<1x128xf32>
    %add3A_61 = vector.broadcast %get3A_60 : vector<1x128xf32> to vector<400x128xf32>
    %add3A_62 = arith.addf %dot_general3A_57, %add3A_61 : vector<400x128xf32>
    %add3A_63 = arith.addf %add3A_33, %add3A_62 : vector<400x128xf32>
    %reduce_sum3A_64 = arith.constant dense<0.000000e+00> : vector<400xf32>
    %reduce_sum3A_65 = vector.multi_reduction <add>, %add3A_63, %reduce_sum3A_64 [1] : vector<400x128xf32> to vector<400xf32>
    %broadcast_in_dim3A_66 = vector.shape_cast %reduce_sum3A_65 : vector<400xf32> to vector<400x1xf32>
    %div3A_67 = arith.constant 1.280000e+02 : f32
    %div3A_68 = vector.broadcast %div3A_67 : f32 to vector<400x1xf32>
    %div3A_69 = arith.divf %broadcast_in_dim3A_66, %div3A_68 : vector<400x1xf32>
    %sub3A_70 = vector.broadcast %div3A_69 : vector<400x1xf32> to vector<400x128xf32>
    %sub3A_71 = arith.subf %add3A_63, %sub3A_70 : vector<400x128xf32>
    %mul3A_72 = arith.mulf %sub3A_71, %sub3A_71 : vector<400x128xf32>
    %reduce_sum3A_73 = arith.constant dense<0.000000e+00> : vector<400xf32>
    %reduce_sum3A_74 = vector.multi_reduction <add>, %mul3A_72, %reduce_sum3A_73 [1] : vector<400x128xf32> to vector<400xf32>
    %broadcast_in_dim3A_75 = vector.shape_cast %reduce_sum3A_74 : vector<400xf32> to vector<400x1xf32>
    %div3A_76 = arith.constant 1.280000e+02 : f32
    %div3A_77 = vector.broadcast %div3A_76 : f32 to vector<400x1xf32>
    %div3A_78 = arith.divf %broadcast_in_dim3A_75, %div3A_77 : vector<400x1xf32>
    %add3A_79 = arith.constant 9.99999974E-6 : f32
    %add3A_80 = vector.broadcast %add3A_79 : f32 to vector<400x1xf32>
    %add3A_81 = arith.addf %div3A_78, %add3A_80 : vector<400x1xf32>
    %rsqrt3A_82 = math.rsqrt %add3A_81 : vector<400x1xf32>
    %mul3A_83 = vector.broadcast %rsqrt3A_82 : vector<400x1xf32> to vector<400x128xf32>
    %mul3A_84 = arith.mulf %sub3A_71, %mul3A_83 : vector<400x128xf32>
    %get3A_85 = arith.constant 0 : index
    %get3A_86 = arith.constant 0 : index
    %get3A_87 = vector.load %arg8[%get3A_85, %get3A_86] : memref<1x128xf32, #tpu.memory_space<vmem>>, vector<1x128xf32>
    %mul3A_88 = vector.broadcast %get3A_87 : vector<1x128xf32> to vector<400x128xf32>
    %mul3A_89 = arith.mulf %mul3A_84, %mul3A_88 : vector<400x128xf32>
    %get3A_90 = arith.constant 0 : index
    %get3A_91 = arith.constant 0 : index
    %get3A_92 = vector.load %arg9[%get3A_90, %get3A_91] : memref<1x128xf32, #tpu.memory_space<vmem>>, vector<1x128xf32>
    %add3A_93 = vector.broadcast %get3A_92 : vector<1x128xf32> to vector<400x128xf32>
    %add3A_94 = arith.addf %mul3A_89, %add3A_93 : vector<400x128xf32>
    %swap3A = arith.constant 0 : index
    %swap3A_95 = arith.constant 0 : index
    %swap3A_96 = vector.load %arg10[%swap3A, %swap3A_95] : memref<400x128xf32, #tpu.memory_space<vmem>>, vector<400x128xf32>
    tpu.vector_store %arg10[%swap3A, %swap3A_95], %add3A_94 {strides = array<i32>} : memref<400x128xf32, #tpu.memory_space<vmem>>, vector<400x128xf32>,
    return
  }
  func.func @transform_0(%arg0: i32) -> (i32, i32, i32) {
    %c0_i32 = arith.constant 0 : i32
    %c0_i32_0 = arith.constant 0 : i32
    %c0_i32_1 = arith.constant 0 : i32
    return %c0_i32, %arg0, %c0_i32_0 : i32, i32, i32
  }
  func.func @transform_1(%arg0: i32) -> (i32, i32) {
    %c0_i32 = arith.constant 0 : i32
    %c0_i32_0 = arith.constant 0 : i32
    %c0_i32_1 = arith.constant 0 : i32
    return %c0_i32, %c0_i32_0 : i32, i32
  }
  func.func @transform_2(%arg0: i32) -> (i32, i32) {
    %c0_i32 = arith.constant 0 : i32
    %c0_i32_0 = arith.constant 0 : i32
    %c0_i32_1 = arith.constant 0 : i32
    return %c0_i32, %c0_i32_0 : i32, i32
  }
  func.func @transform_3(%arg0: i32) -> (i32, i32) {
    %c0_i32 = arith.constant 0 : i32
    %c0_i32_0 = arith.constant 0 : i32
    %c0_i32_1 = arith.constant 0 : i32
    return %c0_i32, %c0_i32_0 : i32, i32
  }
  func.func @transform_4(%arg0: i32) -> (i32, i32) {
    %c0_i32 = arith.constant 0 : i32
    %c0_i32_0 = arith.constant 0 : i32
    %c0_i32_1 = arith.constant 0 : i32
    return %c0_i32, %c0_i32_0 : i32, i32
  }
  func.func @transform_5(%arg0: i32) -> (i32, i32) {
    %c0_i32 = arith.constant 0 : i32
    %c0_i32_0 = arith.constant 0 : i32
    %c0_i32_1 = arith.constant 0 : i32
    return %c0_i32, %c0_i32_0 : i32, i32
  }
  func.func @transform_6(%arg0: i32) -> (i32, i32) {
    %c0_i32 = arith.constant 0 : i32
    %c0_i32_0 = arith.constant 0 : i32
    %c0_i32_1 = arith.constant 0 : i32
    return %c0_i32, %c0_i32_0 : i32, i32
  }
  func.func @transform_7(%arg0: i32) -> (i32, i32) {
    %c0_i32 = arith.constant 0 : i32
    %c0_i32_0 = arith.constant 0 : i32
    %c0_i32_1 = arith.constant 0 : i32
    return %c0_i32, %c0_i32_0 : i32, i32
  }
  func.func @transform_8(%arg0: i32) -> (i32, i32) {
    %c0_i32 = arith.constant 0 : i32
    %c0_i32_0 = arith.constant 0 : i32
    %c0_i32_1 = arith.constant 0 : i32
    return %c0_i32, %c0_i32_0 : i32, i32
  }
  func.func @transform_9(%arg0: i32) -> (i32, i32) {
    %c0_i32 = arith.constant 0 : i32
    %c0_i32_0 = arith.constant 0 : i32
    return %arg0, %c0_i32 : i32, i32
  }
}

</mosaic_0001>

<sc_bundles>
// kernel: kernel.4.cloned.1.call-start
scs
__scs_entry_jumppad:
0x0: {  	(pc) =	sbr.rel $0x88, $3  }
0x1: {  	(tag) =	ssettag $0x0;
	lr =	simm.s32 $0x1  }
0x2: {  	[smem:$0x3F97] =	sst lr;
	_ =	strace $0xD0000000  }
0x3: {  	_ = 	snop  }
0x4: {  	_ = 	snop  }
0x5: {  	_ = 	snop  }
0x6: {  	_ = 	snop  }
0x7: {  	_ = 	snop  }
__scs_overlays_trampoline_lowered:
0x8: {  	[smem:$0x3FA6] =	sst s0  }
0x9: {  	[smem:$0x3FA7] =	sst s1  }
0xa: {  	[smem:$0x3FA8] =	sst s2  }
0xb: {  	[smem:$0x3FA9] =	sst s3  }
0xc: {  	[smem:$0x3FAA] =	sst s4  }
0xd: {  	[smem:$0x3FAB] =	sst s5  }
0xe: {  	[smem:$0x3FAC] =	sst s6  }
0xf: {  	[smem:$0x3FAD] =	sst s7  }
0x10: {  	[smem:$0x3FAE] =	sst s8  }
0x11: {  	[smem:$0x3FAF] =	sst s9;
	s0 =	simm.s32 @!p0 $0x0  }
0x12: {  	s1 =	sld [smem:$0x3F95];
	s0 =	simm.s32 @p0 $0x1  }
0x13: {  	[smem:$0x3FB0] =	sst s0;
	s0 =	simm.s32 @!p1 $0x0  }
0x14: {  	s2 =	sld [smem:$0x3F94];
	s0 =	simm.s32 @p1 $0x1  }
0x15: {  	[smem:$0x3FB1] =	sst s0;
	s0 =	simm.s32 @!p2 $0x0  }
0x16: {  	s3 =	sld [smem:$0x3FDB];
	s0 =	simm.s32 @p2 $0x1  }
0x17: {  	s4 =	simm.s32 $0x1BF5;
	[smem:$0x3FB3] =	sst s0  }
0x18: {  	s0 =	sld [smem:$0x3F96];
	_ =	swait.ge [sflag:s4], $0x0  }
0x19: {  	s7 =	sld [smem:$0x3F97]  }
0x1a: {  	s8 =	sadd.s32 $0xFFFFE003, lr  }
0x1b: {  	s9 =	sadd.s32 $0xFFFFFEF7, lr;
	s5 =	simm.s32 $0xFFFFFFFF;
	p2 =	slt.u32 s8, $0xFFFFF086  }
0x1c: {  	p1 =	slt.u32 s9, $0xF7A;
	s5 =	simm.s32 @!p2 $0x0  }
0x1d: {  	s5 =	simm.s32 @p1 $0x1;
	p0 =	seq.s32 s7, s2  }
0x1e: {  	s7 =	smul.u32 @!p0 $0xF7A, s2;
	p2 =	seq.s32 @!p0 s5, $0x0  }
0x1f: {  	s9 =	smul.u32 $0xF7A, s1;
	s8 =	simm.s32 @!p0 $0x1BF5;
	p2 =	por !p2, p0  }
0x20: {  	[sflag:s8] =	ssyncset.s32 @!p0 $0xFFFFF086;
	s6 =	sadd.s32 @!p0 s3, s7;
	s7 =	simm.s32 @!p0 $0x108  }
0x21: {  	s3 =	sadd.s32 s3, s9;
	s6 =	sadd.s32 @!p0 $0x88, s6;
	s7 =	simm.s32 @p2 $0x1082  }
0x22: {  	[simem:s7], [sflag:s8] =	dma.local @!p0 [hbm:s6], $0xF7A  }
0x23: {  	s9 =	sor.u32 $0xD0000000, s2;
	s6 =	simm.s32 $0x108;
	_ =	swait.ge @!p0 [sflag:s8], $0x0  }
0x24: {  	s3 =	sadd.s32 $0x88, s3;
	s6 =	simm.s32 @!p1 $0x1082;
	[sflag:s4] =	ssyncset.s32 $0xFFFFF086  }
0x25: {  	[simem:s6], [sflag:s4] =	dma.local [hbm:s3], $0xF7A  }
0x26: {  	[smem:$0x3F97] =	sst s1;
	(tag) =	ssettag s2;
	_ =	strace s9  }
0x27: {  	s1 =	sld [smem:$0x3FA7]  }
0x28: {  	s2 =	sld [smem:$0x3FA8]  }
0x29: {  	s4 =	sld [smem:$0x3FAA]  }
0x2a: {  	p0 =	seq.s32 s5, $0x0;
	s5 =	sld [smem:$0x3FAB]  }
0x2b: {  	s6 =	sld [smem:$0x3FAC]  }
0x2c: {  	s7 =	sld [smem:$0x3FAD]  }
0x2d: {  	s3 =	simm.s32 $0x108;
	s8 =	sld [smem:$0x3FAE]  }
0x2e: {  	s3 =	simm.s32 @!p0 $0x1082;
	s9 =	sld [smem:$0x3FAF]  }
0x2f: {  	lr =	sadd.s32 s0, s3;
	s0 =	sld [smem:$0x3FA6]  }
0x30: {  	s3 =	sld [smem:$0x3FA9]  }
0x31: {  	[smem:$0x3FB2] =	sst s10  }
0x32: {  	s10 =	sld [smem:$0x3FB0];
	_ =	sdelay $0x3  }
0x33: {  	p0 =	seq.s32 s10, $0x1;
	s10 =	sld [smem:$0x3FB2];
	_ =	sdelay $0x3  }
0x34: {  	[smem:$0x3FB2] =	sst s10  }
0x35: {  	s10 =	sld [smem:$0x3FB1];
	_ =	sdelay $0x3  }
0x36: {  	p1 =	seq.s32 s10, $0x1;
	s10 =	sld [smem:$0x3FB2];
	_ =	sdelay $0x3  }
0x37: {  	[smem:$0x3FB2] =	sst s10  }
0x38: {  	s10 =	sld [smem:$0x3FB3]  }
0x39: {  	_ = 	snop;
	(pc) =	sbr.ind lr, $3  }
0x3a: {  	_ = 	snop  }
0x3b: {  	_ = 	snop  }
0x3c: {  	p2 =	seq.s32 s10, $0x1;
	s10 =	sld [smem:$0x3FB2]  }
0x3d: {  	_ =	shalt  }
0x3e: {  	_ =	shalt  }
0x3f: {  	_ =	shalt  }
0x40: {  	_ =	shalt  }
0x41: {  	_ =	shalt  }
0x42: {  	_ =	shalt  }
0x43: {  	_ =	shalt  }
0x44: {  	_ =	shalt  }
0x45: {  	_ =	shalt  }
0x46: {  	_ =	shalt  }
0x47: {  	_ =	shalt  }
0x48: {  	_ =	shalt  }
0x49: {  	_ =	shalt  }
0x4a: {  	_ =	shalt  }
0x4b: {  	_ =	shalt  }
0x4c: {  	_ =	shalt  }
0x4d: {  	_ =	shalt  }
0x4e: {  	_ =	shalt  }
0x4f: {  	_ =	shalt  }
0x50: {  	_ =	shalt  }
0x51: {  	_ =	shalt  }
0x52: {  	_ =	shalt  }
0x53: {  	_ =	shalt  }
0x54: {  	_ =	shalt  }
0x55: {  	_ =	shalt  }
0x56: {  	_ =	shalt  }
0x57: {  	_ =	shalt  }
0x58: {  	_ =	shalt  }
0x59: {  	_ =	shalt  }
0x5a: {  	_ =	shalt  }
0x5b: {  	_ =	shalt  }
0x5c: {  	_ =	shalt  }
0x5d: {  	_ =	shalt  }
0x5e: {  	_ =	shalt  }
0x5f: {  	_ =	shalt  }
0x60: {  	_ =	shalt  }
0x61: {  	_ =	shalt  }
0x62: {  	_ =	shalt  }
0x63: {  	_ =	shalt  }
0x64: {  	_ =	shalt  }
0x65: {  	_ =	shalt  }
0x66: {  	_ =	shalt  }
0x67: {  	_ =	shalt  }
0x68: {  	_ =	shalt  }
0x69: {  	_ =	shalt  }
0x6a: {  	_ =	shalt  }
0x6b: {  	_ =	shalt  }
0x6c: {  	_ =	shalt  }
0x6d: {  	_ =	shalt  }
0x6e: {  	_ =	shalt  }
0x6f: {  	_ =	shalt  }
0x70: {  	_ =	shalt  }
0x71: {  	_ =	shalt  }
0x72: {  	_ =	shalt  }
0x73: {  	_ =	shalt  }
0x74: {  	_ =	shalt  }
0x75: {  	_ =	shalt  }
0x76: {  	_ =	shalt  }
0x77: {  	_ =	shalt  }
0x78: {  	_ =	shalt  }
0x79: {  	_ =	shalt  }
0x7a: {  	_ =	shalt  }
0x7b: {  	_ =	shalt  }
0x7c: {  	_ =	shalt  }
0x7d: {  	_ =	shalt  }
0x7e: {  	_ =	shalt  }
0x7f: {  	_ =	shalt  }
0x80: {  	_ =	shalt  }
0x81: {  	_ =	shalt  }
0x82: {  	_ =	shalt  }
0x83: {  	_ =	shalt  }
0x84: {  	_ =	shalt  }
0x85: {  	_ =	shalt  }
0x86: {  	_ =	shalt  }
0x87: {  	_ =	shalt  }
.Lfunc_end0:
.L_simem_size_0:
called_computation_lowered:
.L_overlay_start_0:
0x88: {  	s2 =	sld [smem:$0x3FD9]  }
0x89: {  	s3 =	sld [smem:$0x3FFE];
	_ =	sdelay $0x1  }
0x8a: {  	s1 =	srdreg.scid  }
0x8b: {  	s0 =	sand.u32 $0x1, s1  }
0x8c: {  	s17 =	sshll.u32 s0, $0xA;
	s2 =	sadd.s32 s3, s2  }
0x8d: {  	s2 =	sadd.s32 s2, s17  }
0x8e: {  	[smem:$0x3FBE] =	sst s2  }
0x8f: {  	_ = 	snop  }
0x90: {  	s2 =	sld [smem:$0x3FC9]  }
0x91: {  	s18 =	sld [smem:$0x3FD0];
	(tm) =	ssettm $0x1  }
0x92: {  	s4 =	sld [smem:$0x3FFB];
	_ =	sdelay $0x3  }
0x93: {  	_ =	strace s4  }
0x94: {  	s4 =	sld [smem:$0x3FFC];
	_ =	sdelay $0x3  }
0x95: {  	_ =	strace s4  }
0x96: {  	s4 =	sld [smem:$0x3FFD];
	_ =	sdelay $0x3  }
0x97: {  	_ =	strace s4  }
0x98: {  	_ =	strace $0x8FFFFFFF  }
0x99: {  	s19 =	sld [smem:$0x3FDB];
	_ =	sdelay $0x1  }
0x9a: {  	s5 =	simm.s32 $_scs_section_size  }
0x9b: {  	s6 =	simm.s32 $_size__tile_overlayer_lowered;
	s7 =	simm.s32 $_tile_overlayer_lowered  }
0x9c: {  	s22 =	simm.s32 $0x1BFF;
	s21 =	sshll.u32 s7, $0x1;
	s4 =	sadd.s32 s5, s19  }
0x9d: {  	s8 =	simm.s32 $0x0;
	s20 =	sshll.u32 s6, $0x1;
	s6 =	sadd.s32 s21, s4  }
0x9e: {  	[timem:s8], [sflag:s22] =	dma.local [hbm:s6], s20  }
0x9f: {  	_ =	swait.ge [sflag:s22], s20  }
0xa0: {  	s5 =	ssub.s32 $0x0, s20;
	[sflag:s22] =	ssyncset.done $0x0  }
0xa1: {  	[sflag:s22] =	ssyncadd.s32 s5;
	_ =	sdelay $0x1  }
0xa2: {  	s23 =	simm.s32 $0x1B8B  }
0xa3: {  	_ =	swait.ge [sflag:s23], $0x1  }
0xa4: {  	[sflag:s23] =	ssyncset.done $0x0  }
0xa5: {  	s25 =	simm.s32 $0x1B8E;
	s24 =	sld [smem:$0x3FFE];
	[sflag:s23] =	ssyncadd.s32 $0xFFFFFFFF  }
0xa6: {  	s26 =	simm.s32 $execute0_lowered;
	[smem:$0x3FD2] =	sst s25  }
0xa7: {  	s6 =	sshll.u32 s26, $0x1;
	_ =	strace $0x80000046;
	[dreg:$0x1] =	wrdreg $0xFFFFFFFF  }
0xa8: {  	s28 =	simm.s32 $_size_execute0_lowered;
	s4 =	sadd.s32 s4, s6;
	[dreg:$0x0] =	wrdreg $0x0  }
0xa9: {  	s6 =	sshll.u32 s28, $0x1;
	[dreg:$0x2] =	wrdreg s4  }
0xaa: {  	[dreg:$0x3] =	wrdreg s6  }
0xab: {  	[dreg:$0x4] =	wrdreg $0xC0  }
0xac: {  	_ =	task [dreg:s8], $0x5FFFF  }
0xad: {  	[dreg:$0x1] =	wrdreg $0xFFFFFFFF  }
0xae: {  	[dreg:$0x0] =	wrdreg $0x60  }
0xaf: {  	[dreg:$0x2] =	wrdreg s2  }
0xb0: {  	[dreg:$0x3] =	wrdreg s18  }
0xb1: {  	[dreg:$0x4] =	wrdreg s24  }
0xb2: {  	[dreg:$0x5] =	wrdreg $0xA8800  }
0xb3: {  	[dreg:$0x6] =	wrdreg $0x9  }
0xb4: {  	_ =	task.clear_ibuf [dreg:s8], $0x7FFFF;
	_ =	strace $0x90000046  }
0xb5: {  	s29 =	simm.s32 $0x9;
	_ =	strace $0x80000048  }
0xb6: {  	_ =	swait.ge [sflag:s29], $0x1  }
0xb7: {  	[sflag:s29] =	ssyncadd.s32 $0xFFFFFFFF  }
0xb8: {  	_ =	strace $0x90000048  }
0xb9: {  	_ =	sfence  }
0xba: {  	s30 =	sld [smem:$0x0];
	_ =	sdelay $0x2  }
0xbb: {  	s31 =	sshll.u32 s1, $0xD;
	s1 =	sshrl.u32 s1, $0x2  }
0xbc: {  	s3 =	sand.u32 $0x4000, s31;
	s1 =	sadd.s32 s1, s30  }
0xbd: {  	s0 =	sor.u32 s3, s0;
	s1 =	sshll.u32 s1, $0x11  }
0xbe: {  	s0 =	sor.u32 s1, s0  }
0xbf: {  	s0 =	sadd.s32 $0x8F2B, s0  }
0xc0: {  	[sflag:s0] =	ssyncadd.remote.s32 $0x1  }
0xc1: {  	_ =	sfence.sel $0xFFFF  }
0xc2: {  	[dreg:$0x0] =	wrdreg $0xFFFFFFFF;
	(pc) =	sbr.abs _section_cstart, $3  }
0xc3: {  	[dreg:$0x1] =	wrdreg $0xFFFFFFFF  }
0xc4: {  	_ =	task.clear_ibuf [dreg:s8], $0x2FFFF;
	_ =	strace $0x9FFFFFFF  }
0xc5: {  	(tm) =	ssettm $0x7FFFFFFF  }
tec
execute0_lowered:
.L_overlay_start_1:
0x0: {  	(tag) =	ssettag $0x1  }
0x1: {  	s1 =	rddreg [dreg:$0x0]  }
0x2: {  	s0 =	rddreg [dreg:$0x1]  }
0x3: {  	s2 =	rddreg [dreg:$0x2];
	s19 =	stileid.u32  }
0x4: {  	s3 =	rddreg [dreg:$0x3];
	s23 =	smul.u32 $0x2800, s19  }
0x5: {  	s4 =	srdreg.scid;
	s8 =	smul.u32 $0x50000, s19  }
0x6: {  	s20 =	simm.s32 $0x3;
	s21 =	simm.s32 $0x80;
	s18 =	smul.u32 $0x271000, s19  }
0x7: {  	s22 =	simm.s32 $0x4000;
	s16 =	sand.u32 $0x1, s4;
	s30 =	smul.u32 $0x4E200, s19  }
0x8: {  	s29 =	simm.s32 $0x0;
	s4 =	simm.s32 $0x0;
	s6 =	smul.u32 $0x28000, s16  }
0x9: {  	s5 =	sshll.u32 s19, $0x1;
	s19 =	simm.s32 $0x8000;
	s28 =	smul.u32 $0x138800, s16  }
0xa: {  	[smem:$0x7FF] =	sst s4;
	s10 =	sor.u32 s16, s5;
	s31 =	smul.u32 $0x27100, s16  }
0xb: {  	s24 =	ssub.s32 $0x2, s16;
	_ =	strace $0x80000047;
	s9 =	smul.u32 $0x500, s10  }
0xc: {  	s7 =	sshll.u32 s10, $0x4;
	s25 =	sshrl.u32 s24, $0x1;
	s26 =	smul.u32 $0x138800, s10  }
0xd: {  	s8 =	sshrl.u32 s8, $0x2;
	s17 =	smul.u32 $0x27100, s10;
	s11 =	sadd.s32 s7, s2  }
0xe: {  	s5 =	sadd.s32 s23, s6;
	s15 =	ssub.s32 s24, s25;
	s24 =	simm.s32 $0x1  }
0xf: {  	s25 =	simm.s32 $0x2;
	s2 =	sadd.s32 s5, s2;
	s5 =	sadd.s32 s8, s3  }
0x10: {  	s6 =	sadd.s32 s0, s9;
	s0 =	sshrl.u32 s26, $0x3;
	s11 =	sadd.s32 $0x1200, s11  }
0x11: {  	s15 =	smax.u32 s15, $0x1;
	s17 =	sadd.s32 s1, s17;
	s26 =	simm.s32 $0xA800  }
0x12: {  	s7 =	sadd.s32 $0x4000, s5;
	s8 =	sadd.s32 $0x8000, s5;
	s9 =	sadd.s32 $0xC000, s5  }
0x13: {  	s10 =	sadd.s32 $0x10000, s5;
	s12 =	sadd.s32 s1, s0;
	s14 =	sadd.s32 $0x1400, s2  }
0x14: {  	s16 =	sadd.s32 $0x800, s17;
	s0 =	sadd.s32 s28, s18;
	s2 =	sadd.s32 s30, s1  }
0x15: {  	v0 =	vimm.f32 $0.0e+00;
	s13 =	sadd.s32 $0x27000, s12;
	s17 =	sadd.s32 $0x8000, s0;
	s18 =	sadd.s32 s31, s2  }
.LBB2_1:
0x16: {  	[tilespmem:s19], [sflag:$0x3] =	stream.linear.gather [hbm4b:s6+s4], $0x2700, $0x38;
	[tilespmem:$0x1E880] =	vst v63  }
0x17: {  	_ =	swait.ge [sflag:s20], $0x2700  }
0x18: {  	[sflag:s20] =	ssyncset.done $0x0  }
0x19: {  	s0 =	simm.s32 $0x0;
	s30 =	simm.s32 $0x200;
	[sflag:s20] =	ssyncadd.s32 $0xFFFFD900  }
.LBB2_2:
0x1a: {  	p0 =	sne.s32 s30, $0xFE00;
	[tilespmem:s0+$0x70] =	vst v0  }
0x1b: {  	[tilespmem:s0+$0x0] =	vst v0  }
0x1c: {  	[tilespmem:s0+$0x10] =	vst v0  }
.Ltmp0:
0x1d: {  	[tilespmem:s0+$0x20] =	vst v0;
	(pc) =	sbr.rel @p0 .LBB2_2-.Ltmp0, $4  }
0x1e: {  	[tilespmem:s0+$0x30] =	vst v0  }
0x1f: {  	[tilespmem:s0+$0x40] =	vst v0  }
0x20: {  	[tilespmem:s0+$0x50] =	vst v0  }
0x21: {  	[tilespmem:s0+$0x60] =	vst v0;
	s0 =	sshra.s32 s30, $0x2;
	s30 =	sadd.s32 $0x200, s30  }
0x22: {  	[tilespmem:s0+$0x70] =	vst v0  }
0x23: {  	[tilespmem:s0+$0x0] =	vst v0  }
0x24: {  	[tilespmem:s0+$0x10] =	vst v0  }
0x25: {  	[tilespmem:s0+$0x20] =	vst v0  }
0x26: {  	[tilespmem:s0+$0x30] =	vst v0  }
0x27: {  	[tilespmem:s0+$0x40] =	vst v0  }
0x28: {  	[tilespmem:s0+$0x50] =	vst v0  }
0x29: {  	[tilespmem:s0+$0x60] =	vst v0  }
0x2a: {  	[spmem:s5] =	stream.linear.scatter [tilespmem:s4], [sflag:$0x3], $0x4000, $0x38;
	[tilespmem:$0x1E880] =	vst v63  }
0x2b: {  	_ =	swait.ge [sflag:s20], $0x4000  }
0x2c: {  	[sflag:s20] =	ssyncset.done $0x0  }
0x2d: {  	[sflag:s20] =	ssyncadd.s32 $0xFFFFC000  }
0x2e: {  	[spmem:s7] =	stream.linear.scatter [tilespmem:s4], [sflag:$0x3], $0x4000, $0x38;
	[tilespmem:$0x1E880] =	vst v63  }
0x2f: {  	_ =	swait.ge [sflag:s20], $0x4000  }
0x30: {  	[sflag:s20] =	ssyncset.done $0x0  }
0x31: {  	[sflag:s20] =	ssyncadd.s32 $0xFFFFC000  }
0x32: {  	[spmem:s8] =	stream.linear.scatter [tilespmem:s4], [sflag:$0x3], $0x4000, $0x38;
	[tilespmem:$0x1E880] =	vst v63  }
0x33: {  	_ =	swait.ge [sflag:s20], $0x4000  }
0x34: {  	[sflag:s20] =	ssyncset.done $0x0  }
0x35: {  	[sflag:s20] =	ssyncadd.s32 $0xFFFFC000  }
0x36: {  	[spmem:s9] =	stream.linear.scatter [tilespmem:s4], [sflag:$0x3], $0x4000, $0x38;
	[tilespmem:$0x1E880] =	vst v63  }
0x37: {  	_ =	swait.ge [sflag:s20], $0x4000  }
0x38: {  	[sflag:s20] =	ssyncset.done $0x0  }
0x39: {  	[sflag:s20] =	ssyncadd.s32 $0xFFFFC000  }
0x3a: {  	[spmem:s10] =	stream.linear.scatter [tilespmem:s4], [sflag:$0x3], $0x4000, $0x38;
	[tilespmem:$0x1E880] =	vst v63  }
0x3b: {  	_ =	swait.ge [sflag:s20], $0x4000  }
0x3c: {  	[sflag:s20] =	ssyncset.done $0x0  }
0x3d: {  	[sflag:s20] =	ssyncadd.s32 $0xFFFFC000  }
0x3e: {  	[bflag:$0x0] =	sbarrier.arrive $0xFFFF  }
0x3f: {  	[tilespmem:s4], [sflag:$0x3] =	stream.linear.gather [hbm4b:s12+s4], $0x4000, $0x38;
	[tilespmem:$0x1E880] =	vst v63  }
0x40: {  	_ =	swait.ge [sflag:s20], $0x4000  }
0x41: {  	[sflag:s20] =	ssyncset.done $0x0  }
0x42: {  	[sflag:s20] =	ssyncadd.s32 $0xFFFFC000  }
0x43: {  	[spmem:s3] =	stream.indirect.scatter.add.f32 [tilespmem:s4], [sflag:$0x1], $0x80, s19, s21, $0xb8;
	[tilespmem:$0x1E880] =	vst v63  }
0x44: {  	_ = 	snop  }
0x45: {  	[tilespmem:s22], [sflag:$0x3] =	stream.linear.gather [hbm4b:s16+s4], $0x4000, $0x38;
	[tilespmem:$0x1E880] =	vst v63  }
0x46: {  	_ =	swait.ge [sflag:s20], $0x4000  }
0x47: {  	[sflag:s20] =	ssyncset.done $0x0  }
0x48: {  	s28 =	simm.s32 $0x8080;
	[sflag:s20] =	ssyncadd.s32 $0xFFFFC000  }
0x49: {  	[spmem:s3] =	stream.indirect.scatter.add.f32 [tilespmem:s22], [sflag:$0x2], $0x80, s28, s21, $0xb8;
	[tilespmem:$0x1E880] =	vst v63  }
0x4a: {  	_ =	swait.ge [sflag:s24], $0x4000  }
0x4b: {  	s2 =	sshrl.u32 s17, $0x3;
	[sflag:s24] =	ssyncset.done $0x0  }
0x4c: {  	s0 =	sadd.s32 s1, s2;
	[sflag:s24] =	ssyncadd.s32 $0xFFFFC000  }
0x4d: {  	[tilespmem:s4], [sflag:$0x3] =	stream.linear.gather [hbm4b:s0+s4], $0x4000, $0x38;
	[tilespmem:$0x1E880] =	vst v63  }
0x4e: {  	_ =	swait.ge [sflag:s20], $0x4000  }
0x4f: {  	[sflag:s20] =	ssyncset.done $0x0  }
0x50: {  	s23 =	simm.s32 $0x8100;
	[sflag:s20] =	ssyncadd.s32 $0xFFFFC000  }
0x51: {  	[spmem:s3] =	stream.indirect.scatter.add.f32 [tilespmem:s4], [sflag:$0x1], $0x80, s23, s21, $0xb8;
	[tilespmem:$0x1E880] =	vst v63  }
0x52: {  	_ =	swait.ge [sflag:s25], $0x4000  }
0x53: {  	[sflag:s25] =	ssyncset.done $0x0  }
0x54: {  	s28 =	sadd.s32 $0x1800, s18;
	[sflag:s25] =	ssyncadd.s32 $0xFFFFC000  }
0x55: {  	[tilespmem:s22], [sflag:$0x3] =	stream.linear.gather [hbm4b:s28+s4], $0x4000, $0x38;
	[tilespmem:$0x1E880] =	vst v63  }
0x56: {  	_ =	swait.ge [sflag:s20], $0x4000  }
0x57: {  	s30 =	simm.s32 $0x2800;
	s31 =	simm.s32 $0x8200;
	[sflag:s20] =	ssyncset.done $0x0  }
0x58: {  	s2 =	simm.s32 $0x8180;
	s0 =	sadd.s32 $0x8000, s17;
	[sflag:s20] =	ssyncadd.s32 $0xFFFFC000  }
.LBB2_4:
0x59: {  	[spmem:s3] =	stream.indirect.scatter.add.f32 [tilespmem:s22], [sflag:$0x2], $0x80, s2, s21, $0xb8;
	[tilespmem:$0x1E880] =	vst v63  }
0x5a: {  	s2 =	smov.u32 s30;
	s23 =	smov.u32 s31  }
0x5b: {  	p0 =	sne.s32 s30, $0x26800;
	s30 =	sadd.s32 $0x1000, s30;
	_ =	swait.ge [sflag:s24], $0x4000  }
0x5c: {  	s28 =	sshrl.u32 s0, $0x3;
	[sflag:s24] =	ssyncset.done $0x0  }
0x5d: {  	s28 =	sadd.s32 s1, s28;
	[sflag:s24] =	ssyncadd.s32 $0xFFFFC000  }
0x5e: {  	[tilespmem:s4], [sflag:$0x3] =	stream.linear.gather [hbm4b:s28+s4], $0x4000, $0x38;
	[tilespmem:$0x1E880] =	vst v63  }
0x5f: {  	_ =	swait.ge [sflag:s20], $0x4000  }
0x60: {  	[sflag:s20] =	ssyncset.done $0x0  }
0x61: {  	[sflag:s20] =	ssyncadd.s32 $0xFFFFC000  }
0x62: {  	[spmem:s3] =	stream.indirect.scatter.add.f32 [tilespmem:s4], [sflag:$0x1], $0x80, s31, s21, $0xb8;
	[tilespmem:$0x1E880] =	vst v63  }
0x63: {  	_ =	swait.ge [sflag:s25], $0x4000  }
0x64: {  	[sflag:s25] =	ssyncset.done $0x0  }
.Ltmp1:
0x65: {  	s2 =	sadd.s32 s2, s18;
	[sflag:s25] =	ssyncadd.s32 $0xFFFFC000;
	(pc) =	sbr.rel @p0 .LBB2_4-.Ltmp1, $4  }
0x66: {  	[tilespmem:s22], [sflag:$0x3] =	stream.linear.gather [hbm4b:s2+s4], $0x4000, $0x38;
	[tilespmem:$0x1E880] =	vst v63  }
0x67: {  	_ =	swait.ge [sflag:s20], $0x4000  }
0x68: {  	s31 =	sadd.s32 $0x100, s31;
	[sflag:s20] =	ssyncset.done $0x0  }
0x69: {  	s0 =	sadd.s32 $0x8000, s0;
	s2 =	sadd.s32 $0x80, s23;
	[sflag:s20] =	ssyncadd.s32 $0xFFFFC000  }
0x6a: {  	[spmem:s3] =	stream.indirect.scatter.add.f32 [tilespmem:s22], [sflag:$0x2], $0x80, s2, s21, $0xb8;
	[tilespmem:$0x1E880] =	vst v63  }
0x6b: {  	_ =	swait.ge [sflag:s24], $0x4000  }
0x6c: {  	[sflag:s24] =	ssyncset.done $0x0  }
0x6d: {  	[sflag:s24] =	ssyncadd.s32 $0xFFFFC000  }
0x6e: {  	[tilespmem:s26], [sflag:$0x3] =	stream.linear.gather [hbm4b:s11+s4], $0x80, $0x38;
	[tilespmem:$0x1E880] =	vst v63  }
0x6f: {  	_ =	swait.ge [sflag:s20], $0x80  }
0x70: {  	[sflag:s20] =	ssyncset.done $0x0  }
0x71: {  	[sflag:s20] =	ssyncadd.s32 $0xFFFFFF80  }
0x72: {  	[tilespmem:s4], [sflag:$0x3] =	stream.linear.gather [hbm4b:s13+s4], $0x800, $0x38;
	[tilespmem:$0x1E880] =	vst v63  }
0x73: {  	_ =	swait.ge [sflag:s20], $0x800  }
0x74: {  	[sflag:s20] =	ssyncset.done $0x0  }
0x75: {  	s0 =	simm.s32 $0x10;
	[sflag:s20] =	ssyncadd.s32 $0xFFFFF800  }
0x76: {  	[spmem:s3] =	stream.indirect.scatter.add.f32 [tilespmem:s4], [sflag:$0x1], $0x80, s26, s0, $0xb8;
	[tilespmem:$0x1E880] =	vst v63  }
0x77: {  	_ =	swait.ge [sflag:s24], $0x800  }
0x78: {  	[sflag:s24] =	ssyncset.done $0x0  }
0x79: {  	[sflag:s24] =	ssyncadd.s32 $0xFFFFF800  }
0x7a: {  	s30 =	stileid.u32;
	_ =	swait.ge [sflag:s25], $0x4000  }
0x7b: {  	s31 =	sshrl.u32 s5, $0x3;
	s29 =	sadd.s32 $0x1, s29;
	[sflag:s25] =	ssyncset.done $0x0  }
0x7c: {  	p0 =	sne.s32 s29, s15;
	s0 =	sshll.u32 s30, $0x6;
	[sflag:s25] =	ssyncadd.s32 $0xFFFFC000  }
.Ltmp2:
0x7d: {  	s0 =	sor.u32 $0x1C03, s0;
	[bflag:$0x0] =	sbarrier.arrive $0xFFFF;
	(pc) =	sbr.rel @p0 .LBB2_1-.Ltmp2, $4  }
0x7e: {  	[hbm:s14], [sflag:s0] =	dma.local [spmem:s31], $0x2800  }
0x7f: {  	_ =	swait.ge [sflag:s20], $0x2800  }
0x80: {  	[sflag:s20] =	ssyncset.done $0x0  }
0x81: {  	[sflag:s20] =	ssyncadd.s32 $0xFFFFD800  }
0x82: {  	_ =	sfence.sel $0x180000  }
0x83: {  	[bflag:$0x0] =	sbarrier.arrive $0xFFFF  }
0x84: {  	_ =	strace $0x90000047  }
0x85: {  	s0 =	stileid.u32;
	[bflag:$0x2] =	sbarrier.arrive $0xFFFF  }
0x86: {  	p0 =	sne.s32 s0, $0x0;
	s0 =	rddreg [dreg:$0x4]  }
0x87: {  	s0 =	sadd.s32 @!p0 $0x100000, s0  }
0x88: {  	[sflag:s0] =	ssyncadd.tile.s32 @!p0 $0x1;
	_ =	shalt  }
.Lfunc_end2:
_tile_overlayer_lowered:
.L_overlay_start_2:
0x89: {  	(tag) =	ssettag $0x2  }
0x8a: {  	s0 =	rddreg [dreg:$0x0];
	s2 =	stileid.u32  }
0x8b: {  	s1 =	rddreg [dreg:$0x1];
	p0 =	sne.s32 s2, $0x0  }
0x8c: {  	s3 =	rddreg [dreg:$0x2];
	[bflag:$0x3] =	sbarrier.arrive $0xFFFF;
	s2 =	simm.s32 @!p0 $0x1C03  }
0x8d: {  	[timem:s3], [sflag:s2] =	dma.local @!p0 [hbm:s0], s1  }
0x8e: {  	s0 =	simm.s32 @!p0 $0x3  }
0x8f: {  	_ =	swait.ge @!p0 [sflag:s0], s1  }
0x90: {  	s1 =	ssub.s32 @!p0 $0x0, s1;
	[sflag:s0] =	ssyncset.done @!p0 $0x0  }
0x91: {  	[sflag:s0] =	ssyncadd.s32 @!p0 s1  }
0x92: {  	[bflag:$0x3] =	sbarrier.arrive $0xFFFF  }
0x93: {  	_ =	shalt  }

</sc_bundles>
